<compile_context>
chip_gen: v7x
topology: tpu7x:2x2x1
jax: 0.10.2.dev20260603
libtpu: 0.0.44.dev20260713+nightly
codegen_flags: <defaults>
</compile_context>

<pallas_src>
import functools

import jax
import jax.numpy as jnp
from jax import lax
from jax.experimental import pallas as pl
from jax.experimental.pallas import tpu as pltpu
from jax.experimental.pallas import tpu_sc as plsc

_N = 320000
_D = 128
_M = 10000
_H = 128
_NC = 2
_NS = 16
_NW = _NC * _NS

_NSC = 140800
_RPW = _NSC // _NW
_CH = 128
_NCH = _RPW // _CH
_TAIL = _RPW - _NCH * _CH
_MROWS = 632
_MP = _MROWS * _NS


def _sc_body(x_hbm, idx_hbm, out0_hbm, out1_hbm, acc, rows0, rows1, ia0, ia1,
             itail, idxall, zbuf, rsem0, rsem1, isem0, isem1):
  c = lax.axis_index("c")
  s = lax.axis_index("s")
  wid = s * _NC + c
  base = wid * _RPW

  rows = (rows0, rows1)
  ia = (ia0, ia1)
  rsem = (rsem0, rsem1)

  def fire(j, b):
    off = base + j * _CH
    pltpu.async_copy(x_hbm.at[pl.ds(off, _CH)], rows[b], rsem[b])

  def wait(b):
    pltpu.make_async_copy(x_hbm.at[pl.ds(0, _CH)], rows[b], rsem[b]).wait()

  def stage_ids(j, b):
    def cp(k, carry):
      ia[b][pl.ds(k * 16, 16)] = idxall[pl.ds(j * _CH + k * 16, 16)]
      return carry
    lax.fori_loop(0, _CH // 16, cp, 0)

  def scatter(b):
    pltpu.sync_copy(rows[b], acc.at[ia[b]], add=True)

  fire(0, 0)
  fire(1, 1)
  pltpu.async_copy(idx_hbm.at[pl.ds(base, _RPW)], idxall.at[pl.ds(0, _RPW)],
                   isem0)

  def zloop(k, carry):
    r = k // 8
    col = (k % 8) * 16
    zbuf[r, pl.ds(col, 16)] = jnp.zeros((16,), jnp.float32)
    return carry
  lax.fori_loop(0, 32 * 8, zloop, 0)
  r0 = s * _MROWS
  for t in range(0, (_MROWS // 32) * 32, 32):
    pltpu.sync_copy(zbuf, acc.at[pl.ds(r0 + t, 32)])
  rem = _MROWS % 32
  if rem:
    pltpu.sync_copy(zbuf.at[pl.ds(0, rem)],
                    acc.at[pl.ds(r0 + (_MROWS // 32) * 32, rem)])
  plsc.subcore_barrier()

  pltpu.make_async_copy(idx_hbm.at[pl.ds(0, _RPW)], idxall.at[pl.ds(0, _RPW)],
                        isem0).wait()

  def lbody(jj, carry):
    for b in range(2):
      j = jj * 2 + b
      stage_ids(j, b)
      wait(b)
      scatter(b)
      @pl.when(j + 2 < _NCH)
      def _():
        fire(j + 2, b)
    return carry
  lax.fori_loop(0, _NCH // 2, lbody, 0)
  if _NCH % 2:
    stage_ids(_NCH - 1, 0)
    wait(0)
    scatter(0)
  if _TAIL:
    toff = base + _NCH * _CH
    pltpu.sync_copy(x_hbm.at[pl.ds(toff, _TAIL)], rows0.at[pl.ds(0, _TAIL)])
    def cpt(k, carry):
      itail[pl.ds(k * 16, 16)] = idxall[pl.ds(_NCH * _CH + k * 16, 16)]
      return carry
    lax.fori_loop(0, _TAIL // 16, cpt, 0)
    pltpu.sync_copy(rows0.at[pl.ds(0, _TAIL)], acc.at[itail], add=True)

  plsc.subcore_barrier()
  @pl.when(c == 0)
  def _():
    pltpu.sync_copy(acc.at[pl.ds(r0, _MROWS)], out0_hbm.at[pl.ds(r0, _MROWS)])
  @pl.when(c == 1)
  def _():
    pltpu.sync_copy(acc.at[pl.ds(r0, _MROWS)], out1_hbm.at[pl.ds(r0, _MROWS)])


_sc_segment_sum = functools.partial(
    pl.kernel,
    out_type=(jax.ShapeDtypeStruct((_MP, _D), jnp.float32),
              jax.ShapeDtypeStruct((_MP, _D), jnp.float32)),
    mesh=plsc.VectorSubcoreMesh(core_axis_name="c", subcore_axis_name="s"),
    scratch_types=[
        pltpu.VMEM_SHARED((_MP, _D), jnp.float32),
        pltpu.VMEM((_CH, _D), jnp.float32),
        pltpu.VMEM((_CH, _D), jnp.float32),
        pltpu.VMEM((_CH,), jnp.int32),
        pltpu.VMEM((_CH,), jnp.int32),
        pltpu.VMEM((_TAIL,), jnp.int32),
        pltpu.VMEM((_RPW + 16,), jnp.int32),
        pltpu.VMEM((32, _D), jnp.float32),
        pltpu.SemaphoreType.DMA,
        pltpu.SemaphoreType.DMA,
        pltpu.SemaphoreType.DMA,
        pltpu.SemaphoreType.DMA,
    ],
)(_sc_body)



_BT = 1280
_NTC = _N - _NSC
_NBT = _NTC // _BT
_W = 64
_MP2 = 10056
_IDG = _BT // 128


def _tc_scatter_body(x_ref, ids_ref, o_ref):
  i = pl.program_id(0)

  @pl.when(i == 0)
  def _():
    o_ref[...] = jnp.zeros((_MP2, _D), jnp.float32)

  ids = ids_ref[...].reshape(1, _BT)
  w0 = jnp.bitwise_and(jnp.min(ids), -8)
  loc = ids - w0

  def onehot_mm(loc2, valid):
    oh = (lax.broadcasted_iota(jnp.int32, (_W, _BT), 0) == loc2)
    oh = jnp.logical_and(oh, valid)
    return jnp.dot(oh.astype(jnp.float32), x_ref[...],
                   preferred_element_type=jnp.float32)

  part = onehot_mm(loc, jnp.full((1, _BT), True))
  o_ref[pl.ds(0, _W), :] = o_ref[pl.ds(0, _W), :] + part

  rem = (loc >= _W).astype(jnp.int32)

  def cond(carry):
    return jnp.max(carry) > 0

  def body(carry):
    sel = carry > 0
    w1 = jnp.bitwise_and(jnp.min(jnp.where(sel, ids, jnp.int32(2 ** 30))),
                         -8)
    loc2 = ids - w1
    part2 = onehot_mm(loc2, sel)
    o_ref[pl.ds(w1, _W), :] = o_ref[pl.ds(w1, _W), :] + part2
    return carry * (loc2 >= _W).astype(jnp.int32)

  del rem, cond, body


_tc_scatter = pl.pallas_call(
    _tc_scatter_body,
    grid=(_NBT,),
    in_specs=[
        pl.BlockSpec((_BT, _D), lambda i: (i + _NSC // _BT, 0)),
        pl.BlockSpec((1, 1, _BT), lambda i: (i + _NSC // _BT, 0, 0)),
    ],
    out_specs=pl.BlockSpec((_MP2, _D), lambda i: (0, 0)),
    out_shape=jax.ShapeDtypeStruct((_MP2, _D), jnp.float32),
)



_BM = 2000


def _tc_body(p0_ref, p1_ref, pt_ref, w1_ref, b1_ref, w2_ref, b2_ref, o_ref):
  agg = p0_ref[...] + p1_ref[...] + pt_ref[...]
  h = jnp.dot(agg, w1_ref[...].T, preferred_element_type=jnp.float32)
  h = h + b1_ref[...]
  h = h * jax.nn.sigmoid(h)
  y = jnp.sum(h * w2_ref[...], axis=1, keepdims=True) + b2_ref[...]
  o_ref[...] = y


_tc_mlp = pl.pallas_call(
    _tc_body,
    grid=(_M // _BM,),
    in_specs=[
        pl.BlockSpec((_BM, _D), lambda i: (i, 0)),
        pl.BlockSpec((_BM, _D), lambda i: (i, 0)),
        pl.BlockSpec((_BM, _D), lambda i: (i, 0)),
        pl.BlockSpec((_H, _D), lambda i: (0, 0)),
        pl.BlockSpec((1, _H), lambda i: (0, 0)),
        pl.BlockSpec((1, _H), lambda i: (0, 0)),
        pl.BlockSpec((1, 1), lambda i: (0, 0)),
    ],
    out_specs=pl.BlockSpec((_BM, 1), lambda i: (i, 0)),
    out_shape=jax.ShapeDtypeStruct((_M, 1), jnp.float32),
)


def kernel(scalar_representation, idx_m, W1, b1, W2, b2):
  p0, p1 = _sc_segment_sum(scalar_representation, idx_m)
  pt = _tc_scatter(scalar_representation, idx_m.reshape(_N // _BT, 1, _BT))
  return _tc_mlp(p0, p1, pt, W1, b1.reshape(1, _H), W2, b2.reshape(1, 1))

# --- scband reference (transcript-rebuilt; emitter-appended) ---
"""Pipeline reference for scband-molecule-wise-42666205119100 (READ-ONLY COPY).

The authoritative reference and input builder live on the scoring server;
editing this copy changes nothing except your own understanding.
"""

import jax, jax.numpy as jnp
import numpy as np

N = 320000
D = 128
M = 10000
H = 128
NOUT = 1

def setup_inputs(seed: int = 0) -> dict:
    key = jax.random.key(seed)
    k1, k2, k3, k4 = jax.random.split(key, 4)
    scalar_representation = jax.random.normal(k1, (N, D), dtype=jnp.float32)
    idx_m = jnp.sort(jax.random.randint(k2, (N,), 0, M, dtype=jnp.int32))
    # MLP params per build_mlp(n_in=128, n_out=1, n_hidden=128, n_layers=2):
    # Dense(128->128, silu), Dense(128->1, None)
    W1 = jax.random.normal(k3, (H, D), dtype=jnp.float32) * (1.0 / np.sqrt(D))
    b1 = jnp.zeros((H,), dtype=jnp.float32)
    W2 = jax.random.normal(k4, (NOUT, H), dtype=jnp.float32) * (1.0 / np.sqrt(H))
    b2 = jnp.zeros((NOUT,), dtype=jnp.float32)
    return {"scalar_representation": scalar_representation, "idx_m": idx_m,
            "W1": W1, "b1": b1, "W2": W2, "b2": b2}

def reference(scalar_representation, idx_m, W1, b1, W2, b2):
    # aggregation_mode == 'sum': maxm = idx_m[-1] + 1 == M for this data
    agg = jax.ops.segment_sum(scalar_representation, idx_m, num_segments=M)
    agg = jnp.squeeze(agg, -1) if agg.shape[-1] == 1 else agg
    h = jax.nn.silu(agg @ W1.T + b1)
    y = h @ W2.T + b2
    return y

if __name__ == "__main__":
    import jax
    _d = setup_inputs()
    print(jax.jit(kernel)(*tuple(_d.values())))

</pallas_src>

<mosaic_0001>
#map = affine_map<(d0, d1) -> (0, 0)>
#map1 = affine_map<(d0, d1) -> (0)>
module attributes {stable_mosaic.version = 14 : i64} {
  func.func @_sc_body(%arg0: i32, %arg1: i32, %arg2: memref<320000x128xf32, #tpu.memory_space<hbm>>, %arg3: memref<320000xi32, #tpu.memory_space<hbm>>, %arg4: memref<10112x128xf32, #tpu.memory_space<hbm>>, %arg5: memref<10112x128xf32, #tpu.memory_space<hbm>>, %arg6: memref<10112x128xf32, #tpu.memory_space<vmem_shared>>, %arg7: memref<128x128xf32, #tpu.memory_space<vmem>>, %arg8: memref<128x128xf32, #tpu.memory_space<vmem>>, %arg9: memref<128xi32, #tpu.memory_space<vmem>>, %arg10: memref<128xi32, #tpu.memory_space<vmem>>, %arg11: memref<48xi32, #tpu.memory_space<vmem>>, %arg12: memref<4416xi32, #tpu.memory_space<vmem>>, %arg13: memref<32x128xf32, #tpu.memory_space<vmem>>, %arg14: memref<!tpu.dma_semaphore, #tpu.memory_space<semaphore_mem>>, %arg15: memref<!tpu.dma_semaphore, #tpu.memory_space<semaphore_mem>>, %arg16: memref<!tpu.dma_semaphore, #tpu.memory_space<semaphore_mem>>, %arg17: memref<!tpu.dma_semaphore, #tpu.memory_space<semaphore_mem>>) attributes {dimension_semantics = [#tpu.dimension_semantics<core_parallel>, #tpu.dimension_semantics<subcore_parallel>], iteration_bounds = array<i64: 2, 16>, scalar_prefetch = 0 : i64, scratch_operands = 12 : i64, tpu.core_type = #tpu.core_type<sc_vector_subcore>, window_params = [{transform_indices = #map}, {transform_indices = #map1}, {transform_indices = #map}, {transform_indices = #map}]} {
    %mul3A = arith.constant 2 : i32
    %mul3A_0 = arith.muli %arg1, %mul3A : i32
    %add3A = arith.addi %mul3A_0, %arg0 : i32
    %mul3A_1 = arith.constant 4400 : i32
    %mul3A_2 = arith.muli %add3A, %mul3A_1 : i32
    %add3A_3 = arith.constant 0 : i32
    %add3A_4 = arith.addi %mul3A_2, %add3A_3 : i32
    %dma_start3A = arith.constant 0 : i32
    %dma_start3A_5 = tpu.memref_slice %arg2[%add3A_4, %dma_start3A] : memref<320000x128xf32, #tpu.memory_space<hbm>> -> memref<128x128xf32, #tpu.memory_space<hbm>>
    %dma_start3A_6 = arith.constant 0 : i32
    %dma_start3A_7 = tpu.memref_slice %arg2[%add3A_4, %dma_start3A_6] : memref<320000x128xf32, #tpu.memory_space<hbm>> -> memref<128x128xf32, #tpu.memory_space<hbm>>
    tpu.enqueue_dma source(%dma_start3A_7 : memref<128x128xf32, #tpu.memory_space<hbm>>) target(%arg7 : memref<128x128xf32, #tpu.memory_space<vmem>>) target_semaphore(%arg14 : memref<!tpu.dma_semaphore, #tpu.memory_space<semaphore_mem>>)
    %add3A_8 = arith.constant 128 : i32
    %add3A_9 = arith.addi %mul3A_2, %add3A_8 : i32
    %dma_start3A_10 = arith.constant 0 : i32
    %dma_start3A_11 = tpu.memref_slice %arg2[%add3A_9, %dma_start3A_10] : memref<320000x128xf32, #tpu.memory_space<hbm>> -> memref<128x128xf32, #tpu.memory_space<hbm>>
    %dma_start3A_12 = arith.constant 0 : i32
    %dma_start3A_13 = tpu.memref_slice %arg2[%add3A_9, %dma_start3A_12] : memref<320000x128xf32, #tpu.memory_space<hbm>> -> memref<128x128xf32, #tpu.memory_space<hbm>>
    tpu.enqueue_dma source(%dma_start3A_13 : memref<128x128xf32, #tpu.memory_space<hbm>>) target(%arg8 : memref<128x128xf32, #tpu.memory_space<vmem>>) target_semaphore(%arg15 : memref<!tpu.dma_semaphore, #tpu.memory_space<semaphore_mem>>)
    %dma_start3A_14 = arith.constant 0 : i32
    %dma_start3A_15 = tpu.memref_slice %arg12[%dma_start3A_14] : memref<4416xi32, #tpu.memory_space<vmem>> -> memref<4400xi32, #tpu.memory_space<vmem>>
    %dma_start3A_16 = tpu.memref_slice %arg3[%mul3A_2] : memref<320000xi32, #tpu.memory_space<hbm>> -> memref<4400xi32, #tpu.memory_space<hbm>>
    %dma_start3A_17 = arith.constant 0 : i32
    %dma_start3A_18 = tpu.memref_slice %arg12[%dma_start3A_17] : memref<4416xi32, #tpu.memory_space<vmem>> -> memref<4400xi32, #tpu.memory_space<vmem>>
    %dma_start3A_19 = tpu.memref_slice %arg3[%mul3A_2] : memref<320000xi32, #tpu.memory_space<hbm>> -> memref<4400xi32, #tpu.memory_space<hbm>>
    tpu.enqueue_dma source(%dma_start3A_19 : memref<4400xi32, #tpu.memory_space<hbm>>) target(%dma_start3A_18 : memref<4400xi32, #tpu.memory_space<vmem>>) target_semaphore(%arg16 : memref<!tpu.dma_semaphore, #tpu.memory_space<semaphore_mem>>)
    %scan3A = arith.constant 0 : i32
    %scan3A_20 = arith.constant 0 : i32
    %scan3A_21 = arith.constant 256 : i32
    %scan3A_22 = arith.addi %scan3A_20, %scan3A_21 : i32
    %scan3A_23 = arith.constant 1 : i32
    scf.for %scan3A_96 = %scan3A_20 to %scan3A_22 step %scan3A_23  : i32 {
      %jit3A = arith.constant 8 : i32
      %div3A = arith.divsi %scan3A_96, %jit3A : i32
      %sign3A = arith.constant 0 : i32
      %sign3A_97 = arith.cmpi sgt, %scan3A_96, %sign3A : i32
      %sign3A_98 = arith.extui %sign3A_97 : i1 to i32
      %sign3A_99 = arith.constant 0 : i32
      %sign3A_100 = arith.cmpi slt, %scan3A_96, %sign3A_99 : i32
      %sign3A_101 = arith.extui %sign3A_100 : i1 to i32
      %sign3A_102 = arith.subi %sign3A_98, %sign3A_101 : i32
      %sign3A_103 = arith.constant 0 : i32
      %sign3A_104 = arith.cmpi sgt, %jit3A, %sign3A_103 : i32
      %sign3A_105 = arith.extui %sign3A_104 : i1 to i32
      %sign3A_106 = arith.constant 0 : i32
      %sign3A_107 = arith.cmpi slt, %jit3A, %sign3A_106 : i32
      %sign3A_108 = arith.extui %sign3A_107 : i1 to i32
      %sign3A_109 = arith.subi %sign3A_105, %sign3A_108 : i32
      %ne3A = arith.cmpi ne, %sign3A_102, %sign3A_109 : i32
      %rem3A = arith.remsi %scan3A_96, %jit3A : i32
      %ne3A_110 = arith.constant 0 : i32
      %ne3A_111 = arith.cmpi ne, %rem3A, %ne3A_110 : i32
      %and3A = arith.andi %ne3A, %ne3A_111 : i1
      %sub3A = arith.constant 1 : i32
      %sub3A_112 = arith.subi %div3A, %sub3A : i32
      %select_n3A = arith.select %and3A, %sub3A_112, %div3A : i32
      %jit3A_113 = arith.constant 8 : i32
      %eq3A_114 = arith.constant 0 : i32
      %eq3A_115 = arith.cmpi eq, %jit3A_113, %eq3A_114 : i32
      %jit3A_116 = arith.constant 1 : i32
      %select_n3A_117 = arith.select %eq3A_115, %jit3A_116, %jit3A_113 : i32
      %rem3A_118 = arith.remsi %scan3A_96, %select_n3A_117 : i32
      %ne3A_119 = arith.constant 0 : i32
      %ne3A_120 = arith.cmpi ne, %rem3A_118, %ne3A_119 : i32
      %lt3A = arith.constant 0 : i32
      %lt3A_121 = arith.cmpi slt, %rem3A_118, %lt3A : i32
      %lt3A_122 = arith.constant 0 : i32
      %lt3A_123 = arith.cmpi slt, %select_n3A_117, %lt3A_122 : i32
      %ne3A_124 = arith.xori %lt3A_121, %lt3A_123 : i1
      %and3A_125 = arith.andi %ne3A_124, %ne3A_120 : i1
      %add3A_126 = arith.addi %rem3A_118, %select_n3A_117 : i32
      %select_n3A_127 = arith.select %and3A_125, %add3A_126, %rem3A_118 : i32
      %mul3A_128 = arith.constant 16 : i32
      %mul3A_129 = arith.muli %select_n3A_127, %mul3A_128 : i32
      %broadcast_in_dim3A = arith.constant 0.000000e+00 : f32
      %broadcast_in_dim3A_130 = vector.broadcast %broadcast_in_dim3A : f32 to vector<16xf32>
      %swap3A = arith.index_cast %select_n3A : i32 to index
      %swap3A_131 = arith.index_cast %mul3A_129 : i32 to index
      %swap3A_132 = tpu.vector_load %arg13[%swap3A, %swap3A_131] {strides = array<i32>} : memref<32x128xf32, #tpu.memory_space<vmem>>, vector<1x16xf32>,
      %swap3A_133 = vector.shape_cast %swap3A_132 : vector<1x16xf32> to vector<16xf32>
      %swap3A_134 = vector.shape_cast %broadcast_in_dim3A_130 : vector<16xf32> to vector<1x16xf32>
      tpu.vector_store %arg13[%swap3A, %swap3A_131], %swap3A_134 {strides = array<i32>} : memref<32x128xf32, #tpu.memory_space<vmem>>, vector<1x16xf32>,
    }
    %scan3A_24 = arith.constant 256 : i32
    %mul3A_25 = arith.constant 632 : i32
    %mul3A_26 = arith.muli %arg1, %mul3A_25 : i32
    %add3A_27 = arith.constant 0 : i32
    %add3A_28 = arith.addi %mul3A_26, %add3A_27 : i32
    "tpu.region"() ({
      %run_scoped3A = tpu.sem_alloc : memref<!tpu.dma_semaphore, #tpu.memory_space<semaphore_mem>>
      %dma_start3A_96 = arith.constant 0 : i32
      %dma_start3A_97 = tpu.memref_slice %arg6[%add3A_28, %dma_start3A_96] : memref<10112x128xf32, #tpu.memory_space<vmem_shared>> -> memref<32x128xf32, #tpu.memory_space<vmem_shared>>
      %dma_start3A_98 = arith.constant 0 : i32
      %dma_start3A_99 = tpu.memref_slice %arg6[%add3A_28, %dma_start3A_98] : memref<10112x128xf32, #tpu.memory_space<vmem_shared>> -> memref<32x128xf32, #tpu.memory_space<vmem_shared>>
      tpu.enqueue_dma source(%arg13 : memref<32x128xf32, #tpu.memory_space<vmem>>) target(%dma_start3A_99 : memref<32x128xf32, #tpu.memory_space<vmem_shared>>) target_semaphore(%run_scoped3A : memref<!tpu.dma_semaphore, #tpu.memory_space<semaphore_mem>>)
      %dma_wait3A_100 = arith.constant 0 : i32
      %dma_wait3A_101 = tpu.memref_slice %arg6[%add3A_28, %dma_wait3A_100] : memref<10112x128xf32, #tpu.memory_space<vmem_shared>> -> memref<32x128xf32, #tpu.memory_space<vmem_shared>>
      %dma_wait3A_102 = arith.constant 0 : i32
      %dma_wait3A_103 = tpu.memref_slice %arg6[%add3A_28, %dma_wait3A_102] : memref<10112x128xf32, #tpu.memory_space<vmem_shared>> -> memref<32x128xf32, #tpu.memory_space<vmem_shared>>
      tpu.wait_dma2 semaphore(%run_scoped3A : memref<!tpu.dma_semaphore, #tpu.memory_space<semaphore_mem>>) src(%arg13 : memref<32x128xf32, #tpu.memory_space<vmem>>) dst(%dma_wait3A_103 : memref<32x128xf32, #tpu.memory_space<vmem_shared>>)
      tpu.yield
    }) : () -> ()
    %add3A_29 = arith.constant 32 : i32
    %add3A_30 = arith.addi %mul3A_26, %add3A_29 : i32
    "tpu.region"() ({
      %run_scoped3A = tpu.sem_alloc : memref<!tpu.dma_semaphore, #tpu.memory_space<semaphore_mem>>
      %dma_start3A_96 = arith.constant 0 : i32
      %dma_start3A_97 = tpu.memref_slice %arg6[%add3A_30, %dma_start3A_96] : memref<10112x128xf32, #tpu.memory_space<vmem_shared>> -> memref<32x128xf32, #tpu.memory_space<vmem_shared>>
      %dma_start3A_98 = arith.constant 0 : i32
      %dma_start3A_99 = tpu.memref_slice %arg6[%add3A_30, %dma_start3A_98] : memref<10112x128xf32, #tpu.memory_space<vmem_shared>> -> memref<32x128xf32, #tpu.memory_space<vmem_shared>>
      tpu.enqueue_dma source(%arg13 : memref<32x128xf32, #tpu.memory_space<vmem>>) target(%dma_start3A_99 : memref<32x128xf32, #tpu.memory_space<vmem_shared>>) target_semaphore(%run_scoped3A : memref<!tpu.dma_semaphore, #tpu.memory_space<semaphore_mem>>)
      %dma_wait3A_100 = arith.constant 0 : i32
      %dma_wait3A_101 = tpu.memref_slice %arg6[%add3A_30, %dma_wait3A_100] : memref<10112x128xf32, #tpu.memory_space<vmem_shared>> -> memref<32x128xf32, #tpu.memory_space<vmem_shared>>
      %dma_wait3A_102 = arith.constant 0 : i32
      %dma_wait3A_103 = tpu.memref_slice %arg6[%add3A_30, %dma_wait3A_102] : memref<10112x128xf32, #tpu.memory_space<vmem_shared>> -> memref<32x128xf32, #tpu.memory_space<vmem_shared>>
      tpu.wait_dma2 semaphore(%run_scoped3A : memref<!tpu.dma_semaphore, #tpu.memory_space<semaphore_mem>>) src(%arg13 : memref<32x128xf32, #tpu.memory_space<vmem>>) dst(%dma_wait3A_103 : memref<32x128xf32, #tpu.memory_space<vmem_shared>>)
      tpu.yield
    }) : () -> ()
    %add3A_31 = arith.constant 64 : i32
    %add3A_32 = arith.addi %mul3A_26, %add3A_31 : i32
    "tpu.region"() ({
      %run_scoped3A = tpu.sem_alloc : memref<!tpu.dma_semaphore, #tpu.memory_space<semaphore_mem>>
      %dma_start3A_96 = arith.constant 0 : i32
      %dma_start3A_97 = tpu.memref_slice %arg6[%add3A_32, %dma_start3A_96] : memref<10112x128xf32, #tpu.memory_space<vmem_shared>> -> memref<32x128xf32, #tpu.memory_space<vmem_shared>>
      %dma_start3A_98 = arith.constant 0 : i32
      %dma_start3A_99 = tpu.memref_slice %arg6[%add3A_32, %dma_start3A_98] : memref<10112x128xf32, #tpu.memory_space<vmem_shared>> -> memref<32x128xf32, #tpu.memory_space<vmem_shared>>
      tpu.enqueue_dma source(%arg13 : memref<32x128xf32, #tpu.memory_space<vmem>>) target(%dma_start3A_99 : memref<32x128xf32, #tpu.memory_space<vmem_shared>>) target_semaphore(%run_scoped3A : memref<!tpu.dma_semaphore, #tpu.memory_space<semaphore_mem>>)
      %dma_wait3A_100 = arith.constant 0 : i32
      %dma_wait3A_101 = tpu.memref_slice %arg6[%add3A_32, %dma_wait3A_100] : memref<10112x128xf32, #tpu.memory_space<vmem_shared>> -> memref<32x128xf32, #tpu.memory_space<vmem_shared>>
      %dma_wait3A_102 = arith.constant 0 : i32
      %dma_wait3A_103 = tpu.memref_slice %arg6[%add3A_32, %dma_wait3A_102] : memref<10112x128xf32, #tpu.memory_space<vmem_shared>> -> memref<32x128xf32, #tpu.memory_space<vmem_shared>>
      tpu.wait_dma2 semaphore(%run_scoped3A : memref<!tpu.dma_semaphore, #tpu.memory_space<semaphore_mem>>) src(%arg13 : memref<32x128xf32, #tpu.memory_space<vmem>>) dst(%dma_wait3A_103 : memref<32x128xf32, #tpu.memory_space<vmem_shared>>)
      tpu.yield
    }) : () -> ()
    %add3A_33 = arith.constant 96 : i32
    %add3A_34 = arith.addi %mul3A_26, %add3A_33 : i32
    "tpu.region"() ({
      %run_scoped3A = tpu.sem_alloc : memref<!tpu.dma_semaphore, #tpu.memory_space<semaphore_mem>>
      %dma_start3A_96 = arith.constant 0 : i32
      %dma_start3A_97 = tpu.memref_slice %arg6[%add3A_34, %dma_start3A_96] : memref<10112x128xf32, #tpu.memory_space<vmem_shared>> -> memref<32x128xf32, #tpu.memory_space<vmem_shared>>
      %dma_start3A_98 = arith.constant 0 : i32
      %dma_start3A_99 = tpu.memref_slice %arg6[%add3A_34, %dma_start3A_98] : memref<10112x128xf32, #tpu.memory_space<vmem_shared>> -> memref<32x128xf32, #tpu.memory_space<vmem_shared>>
      tpu.enqueue_dma source(%arg13 : memref<32x128xf32, #tpu.memory_space<vmem>>) target(%dma_start3A_99 : memref<32x128xf32, #tpu.memory_space<vmem_shared>>) target_semaphore(%run_scoped3A : memref<!tpu.dma_semaphore, #tpu.memory_space<semaphore_mem>>)
      %dma_wait3A_100 = arith.constant 0 : i32
      %dma_wait3A_101 = tpu.memref_slice %arg6[%add3A_34, %dma_wait3A_100] : memref<10112x128xf32, #tpu.memory_space<vmem_shared>> -> memref<32x128xf32, #tpu.memory_space<vmem_shared>>
      %dma_wait3A_102 = arith.constant 0 : i32
      %dma_wait3A_103 = tpu.memref_slice %arg6[%add3A_34, %dma_wait3A_102] : memref<10112x128xf32, #tpu.memory_space<vmem_shared>> -> memref<32x128xf32, #tpu.memory_space<vmem_shared>>
      tpu.wait_dma2 semaphore(%run_scoped3A : memref<!tpu.dma_semaphore, #tpu.memory_space<semaphore_mem>>) src(%arg13 : memref<32x128xf32, #tpu.memory_space<vmem>>) dst(%dma_wait3A_103 : memref<32x128xf32, #tpu.memory_space<vmem_shared>>)
      tpu.yield
    }) : () -> ()
    %add3A_35 = arith.constant 128 : i32
    %add3A_36 = arith.addi %mul3A_26, %add3A_35 : i32
    "tpu.region"() ({
      %run_scoped3A = tpu.sem_alloc : memref<!tpu.dma_semaphore, #tpu.memory_space<semaphore_mem>>
      %dma_start3A_96 = arith.constant 0 : i32
      %dma_start3A_97 = tpu.memref_slice %arg6[%add3A_36, %dma_start3A_96] : memref<10112x128xf32, #tpu.memory_space<vmem_shared>> -> memref<32x128xf32, #tpu.memory_space<vmem_shared>>
      %dma_start3A_98 = arith.constant 0 : i32
      %dma_start3A_99 = tpu.memref_slice %arg6[%add3A_36, %dma_start3A_98] : memref<10112x128xf32, #tpu.memory_space<vmem_shared>> -> memref<32x128xf32, #tpu.memory_space<vmem_shared>>
      tpu.enqueue_dma source(%arg13 : memref<32x128xf32, #tpu.memory_space<vmem>>) target(%dma_start3A_99 : memref<32x128xf32, #tpu.memory_space<vmem_shared>>) target_semaphore(%run_scoped3A : memref<!tpu.dma_semaphore, #tpu.memory_space<semaphore_mem>>)
      %dma_wait3A_100 = arith.constant 0 : i32
      %dma_wait3A_101 = tpu.memref_slice %arg6[%add3A_36, %dma_wait3A_100] : memref<10112x128xf32, #tpu.memory_space<vmem_shared>> -> memref<32x128xf32, #tpu.memory_space<vmem_shared>>
      %dma_wait3A_102 = arith.constant 0 : i32
      %dma_wait3A_103 = tpu.memref_slice %arg6[%add3A_36, %dma_wait3A_102] : memref<10112x128xf32, #tpu.memory_space<vmem_shared>> -> memref<32x128xf32, #tpu.memory_space<vmem_shared>>
      tpu.wait_dma2 semaphore(%run_scoped3A : memref<!tpu.dma_semaphore, #tpu.memory_space<semaphore_mem>>) src(%arg13 : memref<32x128xf32, #tpu.memory_space<vmem>>) dst(%dma_wait3A_103 : memref<32x128xf32, #tpu.memory_space<vmem_shared>>)
      tpu.yield
    }) : () -> ()
    %add3A_37 = arith.constant 160 : i32
    %add3A_38 = arith.addi %mul3A_26, %add3A_37 : i32
    "tpu.region"() ({
      %run_scoped3A = tpu.sem_alloc : memref<!tpu.dma_semaphore, #tpu.memory_space<semaphore_mem>>
      %dma_start3A_96 = arith.constant 0 : i32
      %dma_start3A_97 = tpu.memref_slice %arg6[%add3A_38, %dma_start3A_96] : memref<10112x128xf32, #tpu.memory_space<vmem_shared>> -> memref<32x128xf32, #tpu.memory_space<vmem_shared>>
      %dma_start3A_98 = arith.constant 0 : i32
      %dma_start3A_99 = tpu.memref_slice %arg6[%add3A_38, %dma_start3A_98] : memref<10112x128xf32, #tpu.memory_space<vmem_shared>> -> memref<32x128xf32, #tpu.memory_space<vmem_shared>>
      tpu.enqueue_dma source(%arg13 : memref<32x128xf32, #tpu.memory_space<vmem>>) target(%dma_start3A_99 : memref<32x128xf32, #tpu.memory_space<vmem_shared>>) target_semaphore(%run_scoped3A : memref<!tpu.dma_semaphore, #tpu.memory_space<semaphore_mem>>)
      %dma_wait3A_100 = arith.constant 0 : i32
      %dma_wait3A_101 = tpu.memref_slice %arg6[%add3A_38, %dma_wait3A_100] : memref<10112x128xf32, #tpu.memory_space<vmem_shared>> -> memref<32x128xf32, #tpu.memory_space<vmem_shared>>
      %dma_wait3A_102 = arith.constant 0 : i32
      %dma_wait3A_103 = tpu.memref_slice %arg6[%add3A_38, %dma_wait3A_102] : memref<10112x128xf32, #tpu.memory_space<vmem_shared>> -> memref<32x128xf32, #tpu.memory_space<vmem_shared>>
      tpu.wait_dma2 semaphore(%run_scoped3A : memref<!tpu.dma_semaphore, #tpu.memory_space<semaphore_mem>>) src(%arg13 : memref<32x128xf32, #tpu.memory_space<vmem>>) dst(%dma_wait3A_103 : memref<32x128xf32, #tpu.memory_space<vmem_shared>>)
      tpu.yield
    }) : () -> ()
    %add3A_39 = arith.constant 192 : i32
    %add3A_40 = arith.addi %mul3A_26, %add3A_39 : i32
    "tpu.region"() ({
      %run_scoped3A = tpu.sem_alloc : memref<!tpu.dma_semaphore, #tpu.memory_space<semaphore_mem>>
      %dma_start3A_96 = arith.constant 0 : i32
      %dma_start3A_97 = tpu.memref_slice %arg6[%add3A_40, %dma_start3A_96] : memref<10112x128xf32, #tpu.memory_space<vmem_shared>> -> memref<32x128xf32, #tpu.memory_space<vmem_shared>>
      %dma_start3A_98 = arith.constant 0 : i32
      %dma_start3A_99 = tpu.memref_slice %arg6[%add3A_40, %dma_start3A_98] : memref<10112x128xf32, #tpu.memory_space<vmem_shared>> -> memref<32x128xf32, #tpu.memory_space<vmem_shared>>
      tpu.enqueue_dma source(%arg13 : memref<32x128xf32, #tpu.memory_space<vmem>>) target(%dma_start3A_99 : memref<32x128xf32, #tpu.memory_space<vmem_shared>>) target_semaphore(%run_scoped3A : memref<!tpu.dma_semaphore, #tpu.memory_space<semaphore_mem>>)
      %dma_wait3A_100 = arith.constant 0 : i32
      %dma_wait3A_101 = tpu.memref_slice %arg6[%add3A_40, %dma_wait3A_100] : memref<10112x128xf32, #tpu.memory_space<vmem_shared>> -> memref<32x128xf32, #tpu.memory_space<vmem_shared>>
      %dma_wait3A_102 = arith.constant 0 : i32
      %dma_wait3A_103 = tpu.memref_slice %arg6[%add3A_40, %dma_wait3A_102] : memref<10112x128xf32, #tpu.memory_space<vmem_shared>> -> memref<32x128xf32, #tpu.memory_space<vmem_shared>>
      tpu.wait_dma2 semaphore(%run_scoped3A : memref<!tpu.dma_semaphore, #tpu.memory_space<semaphore_mem>>) src(%arg13 : memref<32x128xf32, #tpu.memory_space<vmem>>) dst(%dma_wait3A_103 : memref<32x128xf32, #tpu.memory_space<vmem_shared>>)
      tpu.yield
    }) : () -> ()
    %add3A_41 = arith.constant 224 : i32
    %add3A_42 = arith.addi %mul3A_26, %add3A_41 : i32
    "tpu.region"() ({
      %run_scoped3A = tpu.sem_alloc : memref<!tpu.dma_semaphore, #tpu.memory_space<semaphore_mem>>
      %dma_start3A_96 = arith.constant 0 : i32
      %dma_start3A_97 = tpu.memref_slice %arg6[%add3A_42, %dma_start3A_96] : memref<10112x128xf32, #tpu.memory_space<vmem_shared>> -> memref<32x128xf32, #tpu.memory_space<vmem_shared>>
      %dma_start3A_98 = arith.constant 0 : i32
      %dma_start3A_99 = tpu.memref_slice %arg6[%add3A_42, %dma_start3A_98] : memref<10112x128xf32, #tpu.memory_space<vmem_shared>> -> memref<32x128xf32, #tpu.memory_space<vmem_shared>>
      tpu.enqueue_dma source(%arg13 : memref<32x128xf32, #tpu.memory_space<vmem>>) target(%dma_start3A_99 : memref<32x128xf32, #tpu.memory_space<vmem_shared>>) target_semaphore(%run_scoped3A : memref<!tpu.dma_semaphore, #tpu.memory_space<semaphore_mem>>)
      %dma_wait3A_100 = arith.constant 0 : i32
      %dma_wait3A_101 = tpu.memref_slice %arg6[%add3A_42, %dma_wait3A_100] : memref<10112x128xf32, #tpu.memory_space<vmem_shared>> -> memref<32x128xf32, #tpu.memory_space<vmem_shared>>
      %dma_wait3A_102 = arith.constant 0 : i32
      %dma_wait3A_103 = tpu.memref_slice %arg6[%add3A_42, %dma_wait3A_102] : memref<10112x128xf32, #tpu.memory_space<vmem_shared>> -> memref<32x128xf32, #tpu.memory_space<vmem_shared>>
      tpu.wait_dma2 semaphore(%run_scoped3A : memref<!tpu.dma_semaphore, #tpu.memory_space<semaphore_mem>>) src(%arg13 : memref<32x128xf32, #tpu.memory_space<vmem>>) dst(%dma_wait3A_103 : memref<32x128xf32, #tpu.memory_space<vmem_shared>>)
      tpu.yield
    }) : () -> ()
    %add3A_43 = arith.constant 256 : i32
    %add3A_44 = arith.addi %mul3A_26, %add3A_43 : i32
    "tpu.region"() ({
      %run_scoped3A = tpu.sem_alloc : memref<!tpu.dma_semaphore, #tpu.memory_space<semaphore_mem>>
      %dma_start3A_96 = arith.constant 0 : i32
      %dma_start3A_97 = tpu.memref_slice %arg6[%add3A_44, %dma_start3A_96] : memref<10112x128xf32, #tpu.memory_space<vmem_shared>> -> memref<32x128xf32, #tpu.memory_space<vmem_shared>>
      %dma_start3A_98 = arith.constant 0 : i32
      %dma_start3A_99 = tpu.memref_slice %arg6[%add3A_44, %dma_start3A_98] : memref<10112x128xf32, #tpu.memory_space<vmem_shared>> -> memref<32x128xf32, #tpu.memory_space<vmem_shared>>
      tpu.enqueue_dma source(%arg13 : memref<32x128xf32, #tpu.memory_space<vmem>>) target(%dma_start3A_99 : memref<32x128xf32, #tpu.memory_space<vmem_shared>>) target_semaphore(%run_scoped3A : memref<!tpu.dma_semaphore, #tpu.memory_space<semaphore_mem>>)
      %dma_wait3A_100 = arith.constant 0 : i32
      %dma_wait3A_101 = tpu.memref_slice %arg6[%add3A_44, %dma_wait3A_100] : memref<10112x128xf32, #tpu.memory_space<vmem_shared>> -> memref<32x128xf32, #tpu.memory_space<vmem_shared>>
      %dma_wait3A_102 = arith.constant 0 : i32
      %dma_wait3A_103 = tpu.memref_slice %arg6[%add3A_44, %dma_wait3A_102] : memref<10112x128xf32, #tpu.memory_space<vmem_shared>> -> memref<32x128xf32, #tpu.memory_space<vmem_shared>>
      tpu.wait_dma2 semaphore(%run_scoped3A : memref<!tpu.dma_semaphore, #tpu.memory_space<semaphore_mem>>) src(%arg13 : memref<32x128xf32, #tpu.memory_space<vmem>>) dst(%dma_wait3A_103 : memref<32x128xf32, #tpu.memory_space<vmem_shared>>)
      tpu.yield
    }) : () -> ()
    %add3A_45 = arith.constant 288 : i32
    %add3A_46 = arith.addi %mul3A_26, %add3A_45 : i32
    "tpu.region"() ({
      %run_scoped3A = tpu.sem_alloc : memref<!tpu.dma_semaphore, #tpu.memory_space<semaphore_mem>>
      %dma_start3A_96 = arith.constant 0 : i32
      %dma_start3A_97 = tpu.memref_slice %arg6[%add3A_46, %dma_start3A_96] : memref<10112x128xf32, #tpu.memory_space<vmem_shared>> -> memref<32x128xf32, #tpu.memory_space<vmem_shared>>
      %dma_start3A_98 = arith.constant 0 : i32
      %dma_start3A_99 = tpu.memref_slice %arg6[%add3A_46, %dma_start3A_98] : memref<10112x128xf32, #tpu.memory_space<vmem_shared>> -> memref<32x128xf32, #tpu.memory_space<vmem_shared>>
      tpu.enqueue_dma source(%arg13 : memref<32x128xf32, #tpu.memory_space<vmem>>) target(%dma_start3A_99 : memref<32x128xf32, #tpu.memory_space<vmem_shared>>) target_semaphore(%run_scoped3A : memref<!tpu.dma_semaphore, #tpu.memory_space<semaphore_mem>>)
      %dma_wait3A_100 = arith.constant 0 : i32
      %dma_wait3A_101 = tpu.memref_slice %arg6[%add3A_46, %dma_wait3A_100] : memref<10112x128xf32, #tpu.memory_space<vmem_shared>> -> memref<32x128xf32, #tpu.memory_space<vmem_shared>>
      %dma_wait3A_102 = arith.constant 0 : i32
      %dma_wait3A_103 = tpu.memref_slice %arg6[%add3A_46, %dma_wait3A_102] : memref<10112x128xf32, #tpu.memory_space<vmem_shared>> -> memref<32x128xf32, #tpu.memory_space<vmem_shared>>
      tpu.wait_dma2 semaphore(%run_scoped3A : memref<!tpu.dma_semaphore, #tpu.memory_space<semaphore_mem>>) src(%arg13 : memref<32x128xf32, #tpu.memory_space<vmem>>) dst(%dma_wait3A_103 : memref<32x128xf32, #tpu.memory_space<vmem_shared>>)
      tpu.yield
    }) : () -> ()
    %add3A_47 = arith.constant 320 : i32
    %add3A_48 = arith.addi %mul3A_26, %add3A_47 : i32
    "tpu.region"() ({
      %run_scoped3A = tpu.sem_alloc : memref<!tpu.dma_semaphore, #tpu.memory_space<semaphore_mem>>
      %dma_start3A_96 = arith.constant 0 : i32
      %dma_start3A_97 = tpu.memref_slice %arg6[%add3A_48, %dma_start3A_96] : memref<10112x128xf32, #tpu.memory_space<vmem_shared>> -> memref<32x128xf32, #tpu.memory_space<vmem_shared>>
      %dma_start3A_98 = arith.constant 0 : i32
      %dma_start3A_99 = tpu.memref_slice %arg6[%add3A_48, %dma_start3A_98] : memref<10112x128xf32, #tpu.memory_space<vmem_shared>> -> memref<32x128xf32, #tpu.memory_space<vmem_shared>>
      tpu.enqueue_dma source(%arg13 : memref<32x128xf32, #tpu.memory_space<vmem>>) target(%dma_start3A_99 : memref<32x128xf32, #tpu.memory_space<vmem_shared>>) target_semaphore(%run_scoped3A : memref<!tpu.dma_semaphore, #tpu.memory_space<semaphore_mem>>)
      %dma_wait3A_100 = arith.constant 0 : i32
      %dma_wait3A_101 = tpu.memref_slice %arg6[%add3A_48, %dma_wait3A_100] : memref<10112x128xf32, #tpu.memory_space<vmem_shared>> -> memref<32x128xf32, #tpu.memory_space<vmem_shared>>
      %dma_wait3A_102 = arith.constant 0 : i32
      %dma_wait3A_103 = tpu.memref_slice %arg6[%add3A_48, %dma_wait3A_102] : memref<10112x128xf32, #tpu.memory_space<vmem_shared>> -> memref<32x128xf32, #tpu.memory_space<vmem_shared>>
      tpu.wait_dma2 semaphore(%run_scoped3A : memref<!tpu.dma_semaphore, #tpu.memory_space<semaphore_mem>>) src(%arg13 : memref<32x128xf32, #tpu.memory_space<vmem>>) dst(%dma_wait3A_103 : memref<32x128xf32, #tpu.memory_space<vmem_shared>>)
      tpu.yield
    }) : () -> ()
    %add3A_49 = arith.constant 352 : i32
    %add3A_50 = arith.addi %mul3A_26, %add3A_49 : i32
    "tpu.region"() ({
      %run_scoped3A = tpu.sem_alloc : memref<!tpu.dma_semaphore, #tpu.memory_space<semaphore_mem>>
      %dma_start3A_96 = arith.constant 0 : i32
      %dma_start3A_97 = tpu.memref_slice %arg6[%add3A_50, %dma_start3A_96] : memref<10112x128xf32, #tpu.memory_space<vmem_shared>> -> memref<32x128xf32, #tpu.memory_space<vmem_shared>>
      %dma_start3A_98 = arith.constant 0 : i32
      %dma_start3A_99 = tpu.memref_slice %arg6[%add3A_50, %dma_start3A_98] : memref<10112x128xf32, #tpu.memory_space<vmem_shared>> -> memref<32x128xf32, #tpu.memory_space<vmem_shared>>
      tpu.enqueue_dma source(%arg13 : memref<32x128xf32, #tpu.memory_space<vmem>>) target(%dma_start3A_99 : memref<32x128xf32, #tpu.memory_space<vmem_shared>>) target_semaphore(%run_scoped3A : memref<!tpu.dma_semaphore, #tpu.memory_space<semaphore_mem>>)
      %dma_wait3A_100 = arith.constant 0 : i32
      %dma_wait3A_101 = tpu.memref_slice %arg6[%add3A_50, %dma_wait3A_100] : memref<10112x128xf32, #tpu.memory_space<vmem_shared>> -> memref<32x128xf32, #tpu.memory_space<vmem_shared>>
      %dma_wait3A_102 = arith.constant 0 : i32
      %dma_wait3A_103 = tpu.memref_slice %arg6[%add3A_50, %dma_wait3A_102] : memref<10112x128xf32, #tpu.memory_space<vmem_shared>> -> memref<32x128xf32, #tpu.memory_space<vmem_shared>>
      tpu.wait_dma2 semaphore(%run_scoped3A : memref<!tpu.dma_semaphore, #tpu.memory_space<semaphore_mem>>) src(%arg13 : memref<32x128xf32, #tpu.memory_space<vmem>>) dst(%dma_wait3A_103 : memref<32x128xf32, #tpu.memory_space<vmem_shared>>)
      tpu.yield
    }) : () -> ()
    %add3A_51 = arith.constant 384 : i32
    %add3A_52 = arith.addi %mul3A_26, %add3A_51 : i32
    "tpu.region"() ({
      %run_scoped3A = tpu.sem_alloc : memref<!tpu.dma_semaphore, #tpu.memory_space<semaphore_mem>>
      %dma_start3A_96 = arith.constant 0 : i32
      %dma_start3A_97 = tpu.memref_slice %arg6[%add3A_52, %dma_start3A_96] : memref<10112x128xf32, #tpu.memory_space<vmem_shared>> -> memref<32x128xf32, #tpu.memory_space<vmem_shared>>
      %dma_start3A_98 = arith.constant 0 : i32
      %dma_start3A_99 = tpu.memref_slice %arg6[%add3A_52, %dma_start3A_98] : memref<10112x128xf32, #tpu.memory_space<vmem_shared>> -> memref<32x128xf32, #tpu.memory_space<vmem_shared>>
      tpu.enqueue_dma source(%arg13 : memref<32x128xf32, #tpu.memory_space<vmem>>) target(%dma_start3A_99 : memref<32x128xf32, #tpu.memory_space<vmem_shared>>) target_semaphore(%run_scoped3A : memref<!tpu.dma_semaphore, #tpu.memory_space<semaphore_mem>>)
      %dma_wait3A_100 = arith.constant 0 : i32
      %dma_wait3A_101 = tpu.memref_slice %arg6[%add3A_52, %dma_wait3A_100] : memref<10112x128xf32, #tpu.memory_space<vmem_shared>> -> memref<32x128xf32, #tpu.memory_space<vmem_shared>>
      %dma_wait3A_102 = arith.constant 0 : i32
      %dma_wait3A_103 = tpu.memref_slice %arg6[%add3A_52, %dma_wait3A_102] : memref<10112x128xf32, #tpu.memory_space<vmem_shared>> -> memref<32x128xf32, #tpu.memory_space<vmem_shared>>
      tpu.wait_dma2 semaphore(%run_scoped3A : memref<!tpu.dma_semaphore, #tpu.memory_space<semaphore_mem>>) src(%arg13 : memref<32x128xf32, #tpu.memory_space<vmem>>) dst(%dma_wait3A_103 : memref<32x128xf32, #tpu.memory_space<vmem_shared>>)
      tpu.yield
    }) : () -> ()
    %add3A_53 = arith.constant 416 : i32
    %add3A_54 = arith.addi %mul3A_26, %add3A_53 : i32
    "tpu.region"() ({
      %run_scoped3A = tpu.sem_alloc : memref<!tpu.dma_semaphore, #tpu.memory_space<semaphore_mem>>
      %dma_start3A_96 = arith.constant 0 : i32
      %dma_start3A_97 = tpu.memref_slice %arg6[%add3A_54, %dma_start3A_96] : memref<10112x128xf32, #tpu.memory_space<vmem_shared>> -> memref<32x128xf32, #tpu.memory_space<vmem_shared>>
      %dma_start3A_98 = arith.constant 0 : i32
      %dma_start3A_99 = tpu.memref_slice %arg6[%add3A_54, %dma_start3A_98] : memref<10112x128xf32, #tpu.memory_space<vmem_shared>> -> memref<32x128xf32, #tpu.memory_space<vmem_shared>>
      tpu.enqueue_dma source(%arg13 : memref<32x128xf32, #tpu.memory_space<vmem>>) target(%dma_start3A_99 : memref<32x128xf32, #tpu.memory_space<vmem_shared>>) target_semaphore(%run_scoped3A : memref<!tpu.dma_semaphore, #tpu.memory_space<semaphore_mem>>)
      %dma_wait3A_100 = arith.constant 0 : i32
      %dma_wait3A_101 = tpu.memref_slice %arg6[%add3A_54, %dma_wait3A_100] : memref<10112x128xf32, #tpu.memory_space<vmem_shared>> -> memref<32x128xf32, #tpu.memory_space<vmem_shared>>
      %dma_wait3A_102 = arith.constant 0 : i32
      %dma_wait3A_103 = tpu.memref_slice %arg6[%add3A_54, %dma_wait3A_102] : memref<10112x128xf32, #tpu.memory_space<vmem_shared>> -> memref<32x128xf32, #tpu.memory_space<vmem_shared>>
      tpu.wait_dma2 semaphore(%run_scoped3A : memref<!tpu.dma_semaphore, #tpu.memory_space<semaphore_mem>>) src(%arg13 : memref<32x128xf32, #tpu.memory_space<vmem>>) dst(%dma_wait3A_103 : memref<32x128xf32, #tpu.memory_space<vmem_shared>>)
      tpu.yield
    }) : () -> ()
    %add3A_55 = arith.constant 448 : i32
    %add3A_56 = arith.addi %mul3A_26, %add3A_55 : i32
    "tpu.region"() ({
      %run_scoped3A = tpu.sem_alloc : memref<!tpu.dma_semaphore, #tpu.memory_space<semaphore_mem>>
      %dma_start3A_96 = arith.constant 0 : i32
      %dma_start3A_97 = tpu.memref_slice %arg6[%add3A_56, %dma_start3A_96] : memref<10112x128xf32, #tpu.memory_space<vmem_shared>> -> memref<32x128xf32, #tpu.memory_space<vmem_shared>>
      %dma_start3A_98 = arith.constant 0 : i32
      %dma_start3A_99 = tpu.memref_slice %arg6[%add3A_56, %dma_start3A_98] : memref<10112x128xf32, #tpu.memory_space<vmem_shared>> -> memref<32x128xf32, #tpu.memory_space<vmem_shared>>
      tpu.enqueue_dma source(%arg13 : memref<32x128xf32, #tpu.memory_space<vmem>>) target(%dma_start3A_99 : memref<32x128xf32, #tpu.memory_space<vmem_shared>>) target_semaphore(%run_scoped3A : memref<!tpu.dma_semaphore, #tpu.memory_space<semaphore_mem>>)
      %dma_wait3A_100 = arith.constant 0 : i32
      %dma_wait3A_101 = tpu.memref_slice %arg6[%add3A_56, %dma_wait3A_100] : memref<10112x128xf32, #tpu.memory_space<vmem_shared>> -> memref<32x128xf32, #tpu.memory_space<vmem_shared>>
      %dma_wait3A_102 = arith.constant 0 : i32
      %dma_wait3A_103 = tpu.memref_slice %arg6[%add3A_56, %dma_wait3A_102] : memref<10112x128xf32, #tpu.memory_space<vmem_shared>> -> memref<32x128xf32, #tpu.memory_space<vmem_shared>>
      tpu.wait_dma2 semaphore(%run_scoped3A : memref<!tpu.dma_semaphore, #tpu.memory_space<semaphore_mem>>) src(%arg13 : memref<32x128xf32, #tpu.memory_space<vmem>>) dst(%dma_wait3A_103 : memref<32x128xf32, #tpu.memory_space<vmem_shared>>)
      tpu.yield
    }) : () -> ()
    %add3A_57 = arith.constant 480 : i32
    %add3A_58 = arith.addi %mul3A_26, %add3A_57 : i32
    "tpu.region"() ({
      %run_scoped3A = tpu.sem_alloc : memref<!tpu.dma_semaphore, #tpu.memory_space<semaphore_mem>>
      %dma_start3A_96 = arith.constant 0 : i32
      %dma_start3A_97 = tpu.memref_slice %arg6[%add3A_58, %dma_start3A_96] : memref<10112x128xf32, #tpu.memory_space<vmem_shared>> -> memref<32x128xf32, #tpu.memory_space<vmem_shared>>
      %dma_start3A_98 = arith.constant 0 : i32
      %dma_start3A_99 = tpu.memref_slice %arg6[%add3A_58, %dma_start3A_98] : memref<10112x128xf32, #tpu.memory_space<vmem_shared>> -> memref<32x128xf32, #tpu.memory_space<vmem_shared>>
      tpu.enqueue_dma source(%arg13 : memref<32x128xf32, #tpu.memory_space<vmem>>) target(%dma_start3A_99 : memref<32x128xf32, #tpu.memory_space<vmem_shared>>) target_semaphore(%run_scoped3A : memref<!tpu.dma_semaphore, #tpu.memory_space<semaphore_mem>>)
      %dma_wait3A_100 = arith.constant 0 : i32
      %dma_wait3A_101 = tpu.memref_slice %arg6[%add3A_58, %dma_wait3A_100] : memref<10112x128xf32, #tpu.memory_space<vmem_shared>> -> memref<32x128xf32, #tpu.memory_space<vmem_shared>>
      %dma_wait3A_102 = arith.constant 0 : i32
      %dma_wait3A_103 = tpu.memref_slice %arg6[%add3A_58, %dma_wait3A_102] : memref<10112x128xf32, #tpu.memory_space<vmem_shared>> -> memref<32x128xf32, #tpu.memory_space<vmem_shared>>
      tpu.wait_dma2 semaphore(%run_scoped3A : memref<!tpu.dma_semaphore, #tpu.memory_space<semaphore_mem>>) src(%arg13 : memref<32x128xf32, #tpu.memory_space<vmem>>) dst(%dma_wait3A_103 : memref<32x128xf32, #tpu.memory_space<vmem_shared>>)
      tpu.yield
    }) : () -> ()
    %add3A_59 = arith.constant 512 : i32
    %add3A_60 = arith.addi %mul3A_26, %add3A_59 : i32
    "tpu.region"() ({
      %run_scoped3A = tpu.sem_alloc : memref<!tpu.dma_semaphore, #tpu.memory_space<semaphore_mem>>
      %dma_start3A_96 = arith.constant 0 : i32
      %dma_start3A_97 = tpu.memref_slice %arg6[%add3A_60, %dma_start3A_96] : memref<10112x128xf32, #tpu.memory_space<vmem_shared>> -> memref<32x128xf32, #tpu.memory_space<vmem_shared>>
      %dma_start3A_98 = arith.constant 0 : i32
      %dma_start3A_99 = tpu.memref_slice %arg6[%add3A_60, %dma_start3A_98] : memref<10112x128xf32, #tpu.memory_space<vmem_shared>> -> memref<32x128xf32, #tpu.memory_space<vmem_shared>>
      tpu.enqueue_dma source(%arg13 : memref<32x128xf32, #tpu.memory_space<vmem>>) target(%dma_start3A_99 : memref<32x128xf32, #tpu.memory_space<vmem_shared>>) target_semaphore(%run_scoped3A : memref<!tpu.dma_semaphore, #tpu.memory_space<semaphore_mem>>)
      %dma_wait3A_100 = arith.constant 0 : i32
      %dma_wait3A_101 = tpu.memref_slice %arg6[%add3A_60, %dma_wait3A_100] : memref<10112x128xf32, #tpu.memory_space<vmem_shared>> -> memref<32x128xf32, #tpu.memory_space<vmem_shared>>
      %dma_wait3A_102 = arith.constant 0 : i32
      %dma_wait3A_103 = tpu.memref_slice %arg6[%add3A_60, %dma_wait3A_102] : memref<10112x128xf32, #tpu.memory_space<vmem_shared>> -> memref<32x128xf32, #tpu.memory_space<vmem_shared>>
      tpu.wait_dma2 semaphore(%run_scoped3A : memref<!tpu.dma_semaphore, #tpu.memory_space<semaphore_mem>>) src(%arg13 : memref<32x128xf32, #tpu.memory_space<vmem>>) dst(%dma_wait3A_103 : memref<32x128xf32, #tpu.memory_space<vmem_shared>>)
      tpu.yield
    }) : () -> ()
    %add3A_61 = arith.constant 544 : i32
    %add3A_62 = arith.addi %mul3A_26, %add3A_61 : i32
    "tpu.region"() ({
      %run_scoped3A = tpu.sem_alloc : memref<!tpu.dma_semaphore, #tpu.memory_space<semaphore_mem>>
      %dma_start3A_96 = arith.constant 0 : i32
      %dma_start3A_97 = tpu.memref_slice %arg6[%add3A_62, %dma_start3A_96] : memref<10112x128xf32, #tpu.memory_space<vmem_shared>> -> memref<32x128xf32, #tpu.memory_space<vmem_shared>>
      %dma_start3A_98 = arith.constant 0 : i32
      %dma_start3A_99 = tpu.memref_slice %arg6[%add3A_62, %dma_start3A_98] : memref<10112x128xf32, #tpu.memory_space<vmem_shared>> -> memref<32x128xf32, #tpu.memory_space<vmem_shared>>
      tpu.enqueue_dma source(%arg13 : memref<32x128xf32, #tpu.memory_space<vmem>>) target(%dma_start3A_99 : memref<32x128xf32, #tpu.memory_space<vmem_shared>>) target_semaphore(%run_scoped3A : memref<!tpu.dma_semaphore, #tpu.memory_space<semaphore_mem>>)
      %dma_wait3A_100 = arith.constant 0 : i32
      %dma_wait3A_101 = tpu.memref_slice %arg6[%add3A_62, %dma_wait3A_100] : memref<10112x128xf32, #tpu.memory_space<vmem_shared>> -> memref<32x128xf32, #tpu.memory_space<vmem_shared>>
      %dma_wait3A_102 = arith.constant 0 : i32
      %dma_wait3A_103 = tpu.memref_slice %arg6[%add3A_62, %dma_wait3A_102] : memref<10112x128xf32, #tpu.memory_space<vmem_shared>> -> memref<32x128xf32, #tpu.memory_space<vmem_shared>>
      tpu.wait_dma2 semaphore(%run_scoped3A : memref<!tpu.dma_semaphore, #tpu.memory_space<semaphore_mem>>) src(%arg13 : memref<32x128xf32, #tpu.memory_space<vmem>>) dst(%dma_wait3A_103 : memref<32x128xf32, #tpu.memory_space<vmem_shared>>)
      tpu.yield
    }) : () -> ()
    %add3A_63 = arith.constant 576 : i32
    %add3A_64 = arith.addi %mul3A_26, %add3A_63 : i32
    "tpu.region"() ({
      %run_scoped3A = tpu.sem_alloc : memref<!tpu.dma_semaphore, #tpu.memory_space<semaphore_mem>>
      %dma_start3A_96 = arith.constant 0 : i32
      %dma_start3A_97 = tpu.memref_slice %arg6[%add3A_64, %dma_start3A_96] : memref<10112x128xf32, #tpu.memory_space<vmem_shared>> -> memref<32x128xf32, #tpu.memory_space<vmem_shared>>
      %dma_start3A_98 = arith.constant 0 : i32
      %dma_start3A_99 = tpu.memref_slice %arg6[%add3A_64, %dma_start3A_98] : memref<10112x128xf32, #tpu.memory_space<vmem_shared>> -> memref<32x128xf32, #tpu.memory_space<vmem_shared>>
      tpu.enqueue_dma source(%arg13 : memref<32x128xf32, #tpu.memory_space<vmem>>) target(%dma_start3A_99 : memref<32x128xf32, #tpu.memory_space<vmem_shared>>) target_semaphore(%run_scoped3A : memref<!tpu.dma_semaphore, #tpu.memory_space<semaphore_mem>>)
      %dma_wait3A_100 = arith.constant 0 : i32
      %dma_wait3A_101 = tpu.memref_slice %arg6[%add3A_64, %dma_wait3A_100] : memref<10112x128xf32, #tpu.memory_space<vmem_shared>> -> memref<32x128xf32, #tpu.memory_space<vmem_shared>>
      %dma_wait3A_102 = arith.constant 0 : i32
      %dma_wait3A_103 = tpu.memref_slice %arg6[%add3A_64, %dma_wait3A_102] : memref<10112x128xf32, #tpu.memory_space<vmem_shared>> -> memref<32x128xf32, #tpu.memory_space<vmem_shared>>
      tpu.wait_dma2 semaphore(%run_scoped3A : memref<!tpu.dma_semaphore, #tpu.memory_space<semaphore_mem>>) src(%arg13 : memref<32x128xf32, #tpu.memory_space<vmem>>) dst(%dma_wait3A_103 : memref<32x128xf32, #tpu.memory_space<vmem_shared>>)
      tpu.yield
    }) : () -> ()
    %add3A_65 = arith.constant 608 : i32
    %add3A_66 = arith.addi %mul3A_26, %add3A_65 : i32
    "tpu.region"() ({
      %run_scoped3A = tpu.sem_alloc : memref<!tpu.dma_semaphore, #tpu.memory_space<semaphore_mem>>
      %dma_start3A_96 = arith.constant 0 : i32
      %dma_start3A_97 = arith.constant 0 : i32
      %dma_start3A_98 = tpu.memref_slice %arg13[%dma_start3A_96, %dma_start3A_97] : memref<32x128xf32, #tpu.memory_space<vmem>> -> memref<24x128xf32, #tpu.memory_space<vmem>>
      %dma_start3A_99 = arith.constant 0 : i32
      %dma_start3A_100 = tpu.memref_slice %arg6[%add3A_66, %dma_start3A_99] : memref<10112x128xf32, #tpu.memory_space<vmem_shared>> -> memref<24x128xf32, #tpu.memory_space<vmem_shared>>
      %dma_start3A_101 = arith.constant 0 : i32
      %dma_start3A_102 = tpu.memref_slice %arg6[%add3A_66, %dma_start3A_101] : memref<10112x128xf32, #tpu.memory_space<vmem_shared>> -> memref<24x128xf32, #tpu.memory_space<vmem_shared>>
      %dma_start3A_103 = arith.constant 0 : i32
      %dma_start3A_104 = arith.constant 0 : i32
      %dma_start3A_105 = tpu.memref_slice %arg13[%dma_start3A_103, %dma_start3A_104] : memref<32x128xf32, #tpu.memory_space<vmem>> -> memref<24x128xf32, #tpu.memory_space<vmem>>
      tpu.enqueue_dma source(%dma_start3A_105 : memref<24x128xf32, #tpu.memory_space<vmem>>) target(%dma_start3A_102 : memref<24x128xf32, #tpu.memory_space<vmem_shared>>) target_semaphore(%run_scoped3A : memref<!tpu.dma_semaphore, #tpu.memory_space<semaphore_mem>>)
      %dma_wait3A_106 = arith.constant 0 : i32
      %dma_wait3A_107 = arith.constant 0 : i32
      %dma_wait3A_108 = tpu.memref_slice %arg13[%dma_wait3A_106, %dma_wait3A_107] : memref<32x128xf32, #tpu.memory_space<vmem>> -> memref<24x128xf32, #tpu.memory_space<vmem>>
      %dma_wait3A_109 = arith.constant 0 : i32
      %dma_wait3A_110 = tpu.memref_slice %arg6[%add3A_66, %dma_wait3A_109] : memref<10112x128xf32, #tpu.memory_space<vmem_shared>> -> memref<24x128xf32, #tpu.memory_space<vmem_shared>>
      %dma_wait3A_111 = arith.constant 0 : i32
      %dma_wait3A_112 = tpu.memref_slice %arg6[%add3A_66, %dma_wait3A_111] : memref<10112x128xf32, #tpu.memory_space<vmem_shared>> -> memref<24x128xf32, #tpu.memory_space<vmem_shared>>
      %dma_wait3A_113 = arith.constant 0 : i32
      %dma_wait3A_114 = arith.constant 0 : i32
      %dma_wait3A_115 = tpu.memref_slice %arg13[%dma_wait3A_113, %dma_wait3A_114] : memref<32x128xf32, #tpu.memory_space<vmem>> -> memref<24x128xf32, #tpu.memory_space<vmem>>
      tpu.wait_dma2 semaphore(%run_scoped3A : memref<!tpu.dma_semaphore, #tpu.memory_space<semaphore_mem>>) src(%dma_wait3A_115 : memref<24x128xf32, #tpu.memory_space<vmem>>) dst(%dma_wait3A_112 : memref<24x128xf32, #tpu.memory_space<vmem_shared>>)
      tpu.yield
    }) : () -> ()
    %barrier3A = arith.constant 0 : index
    tpu.barrier barrier_id(%barrier3A)
    %dma_wait3A = arith.constant 0 : i32
    %dma_wait3A_67 = tpu.memref_slice %arg12[%dma_wait3A] : memref<4416xi32, #tpu.memory_space<vmem>> -> memref<4400xi32, #tpu.memory_space<vmem>>
    %dma_wait3A_68 = arith.constant 0 : i32
    %dma_wait3A_69 = tpu.memref_slice %arg3[%dma_wait3A_68] : memref<320000xi32, #tpu.memory_space<hbm>> -> memref<4400xi32, #tpu.memory_space<hbm>>
    %dma_wait3A_70 = arith.constant 0 : i32
    %dma_wait3A_71 = tpu.memref_slice %arg12[%dma_wait3A_70] : memref<4416xi32, #tpu.memory_space<vmem>> -> memref<4400xi32, #tpu.memory_space<vmem>>
    %dma_wait3A_72 = arith.constant 0 : i32
    %dma_wait3A_73 = tpu.memref_slice %arg3[%dma_wait3A_72] : memref<320000xi32, #tpu.memory_space<hbm>> -> memref<4400xi32, #tpu.memory_space<hbm>>
    tpu.wait_dma2 semaphore(%arg16 : memref<!tpu.dma_semaphore, #tpu.memory_space<semaphore_mem>>) src(%dma_wait3A_73 : memref<4400xi32, #tpu.memory_space<hbm>>) dst(%dma_wait3A_71 : memref<4400xi32, #tpu.memory_space<vmem>>)
    %scan3A_74 = arith.constant 0 : i32
    %scan3A_75 = arith.constant 0 : i32
    %scan3A_76 = arith.constant 17 : i32
    %scan3A_77 = arith.addi %scan3A_75, %scan3A_76 : i32
    %scan3A_78 = arith.constant 1 : i32
    scf.for %scan3A_96 = %scan3A_75 to %scan3A_77 step %scan3A_78  : i32 {
      %mul3A_97 = arith.constant 2 : i32
      %mul3A_98 = arith.muli %scan3A_96, %mul3A_97 : i32
      %add3A_99 = arith.constant 0 : i32
      %add3A_100 = arith.addi %mul3A_98, %add3A_99 : i32
      %scan3A_101 = arith.constant 0 : i32
      %scan3A_102 = arith.constant 0 : i32
      %scan3A_103 = arith.constant 8 : i32
      %scan3A_104 = arith.addi %scan3A_102, %scan3A_103 : i32
      %scan3A_105 = arith.constant 1 : i32
      scf.for %scan3A_142 = %scan3A_102 to %scan3A_104 step %scan3A_105  : i32 {
        %mul3A_143 = arith.constant 128 : i32
        %mul3A_144 = arith.muli %add3A_100, %mul3A_143 : i32
        %mul3A_145 = arith.constant 16 : i32
        %mul3A_146 = arith.muli %scan3A_142, %mul3A_145 : i32
        %add3A_147 = arith.addi %mul3A_144, %mul3A_146 : i32
        %get3A = arith.index_cast %add3A_147 : i32 to index
        %get3A_148 = tpu.vector_load %arg12[%get3A] {strides = array<i32>} : memref<4416xi32, #tpu.memory_space<vmem>>, vector<16xi32>,
        %get3A_149 = vector.shape_cast %get3A_148 : vector<16xi32> to vector<16xi32>
        %mul3A_150 = arith.constant 16 : i32
        %mul3A_151 = arith.muli %scan3A_142, %mul3A_150 : i32
        %swap3A = arith.index_cast %mul3A_151 : i32 to index
        %swap3A_152 = tpu.vector_load %arg9[%swap3A] {strides = array<i32>} : memref<128xi32, #tpu.memory_space<vmem>>, vector<16xi32>,
        %swap3A_153 = vector.shape_cast %swap3A_152 : vector<16xi32> to vector<16xi32>
        %swap3A_154 = vector.shape_cast %get3A_149 : vector<16xi32> to vector<16xi32>
        tpu.vector_store %arg9[%swap3A], %swap3A_154 {strides = array<i32>} : memref<128xi32, #tpu.memory_space<vmem>>, vector<16xi32>,
      }
      %scan3A_106 = arith.constant 8 : i32
      %dma_wait3A_107 = arith.constant 0 : i32
      %dma_wait3A_108 = arith.constant 0 : i32
      %dma_wait3A_109 = tpu.memref_slice %arg2[%dma_wait3A_107, %dma_wait3A_108] : memref<320000x128xf32, #tpu.memory_space<hbm>> -> memref<128x128xf32, #tpu.memory_space<hbm>>
      %dma_wait3A_110 = arith.constant 0 : i32
      %dma_wait3A_111 = arith.constant 0 : i32
      %dma_wait3A_112 = tpu.memref_slice %arg2[%dma_wait3A_110, %dma_wait3A_111] : memref<320000x128xf32, #tpu.memory_space<hbm>> -> memref<128x128xf32, #tpu.memory_space<hbm>>
      tpu.wait_dma2 semaphore(%arg14 : memref<!tpu.dma_semaphore, #tpu.memory_space<semaphore_mem>>) src(%dma_wait3A_112 : memref<128x128xf32, #tpu.memory_space<hbm>>) dst(%arg7 : memref<128x128xf32, #tpu.memory_space<vmem>>)
      "tpu.region"() ({
        %run_scoped3A = tpu.sem_alloc : memref<!tpu.dma_semaphore, #tpu.memory_space<semaphore_mem>>
        %dma_start3A_142 = arith.constant 0 : i32
        %dma_start3A_143 = arith.constant 0 : i32
        %dma_start3A_144 = tpu.memref_slice %arg6[%dma_start3A_142, %dma_start3A_143] : memref<10112x128xf32, #tpu.memory_space<vmem_shared>> -> memref<10112x128xf32, #tpu.memory_space<vmem_shared>>
        tpu.enqueue_indirect_dma source(%arg7 : memref<128x128xf32, #tpu.memory_space<vmem>>) target(%dma_start3A_144 : memref<10112x128xf32, #tpu.memory_space<vmem_shared>>) offsets(%arg9 : memref<128xi32, #tpu.memory_space<vmem>>) semaphore(%run_scoped3A : memref<!tpu.dma_semaphore, #tpu.memory_space<semaphore_mem>>) {add = true}
        %dma_wait3A_145 = arith.constant 0 : i32
        %dma_wait3A_146 = arith.constant 0 : i32
        %dma_wait3A_147 = tpu.memref_slice %arg6[%dma_wait3A_145, %dma_wait3A_146] : memref<10112x128xf32, #tpu.memory_space<vmem_shared>> -> memref<10112x128xf32, #tpu.memory_space<vmem_shared>>
        tpu.wait_indirect_dma semaphore(%run_scoped3A : memref<!tpu.dma_semaphore, #tpu.memory_space<semaphore_mem>>) src(%arg7 : memref<128x128xf32, #tpu.memory_space<vmem>>) dst(%dma_wait3A_147 : memref<10112x128xf32, #tpu.memory_space<vmem_shared>>)
        tpu.yield
      }) : () -> ()
      %add3A_113 = arith.constant 2 : i32
      %add3A_114 = arith.addi %add3A_100, %add3A_113 : i32
      %lt3A = arith.constant 34 : i32
      %lt3A_115 = arith.cmpi slt, %add3A_114, %lt3A : i32
      %convert_element_type3A_116 = arith.extui %lt3A_115 : i1 to i32
      %cond3A_117 = arith.constant 0 : i32
      %cond3A_118 = arith.cmpi ne, %convert_element_type3A_116, %cond3A_117 : i32
      scf.if %cond3A_118 {
        %add3A_142 = arith.constant 2 : i32
        %add3A_143 = arith.addi %add3A_100, %add3A_142 : i32
        %mul3A_144 = arith.constant 128 : i32
        %mul3A_145 = arith.muli %add3A_143, %mul3A_144 : i32
        %add3A_146 = arith.addi %mul3A_2, %mul3A_145 : i32
        %dma_start3A_147 = arith.constant 0 : i32
        %dma_start3A_148 = tpu.memref_slice %arg2[%add3A_146, %dma_start3A_147] : memref<320000x128xf32, #tpu.memory_space<hbm>> -> memref<128x128xf32, #tpu.memory_space<hbm>>
        %dma_start3A_149 = arith.constant 0 : i32
        %dma_start3A_150 = tpu.memref_slice %arg2[%add3A_146, %dma_start3A_149] : memref<320000x128xf32, #tpu.memory_space<hbm>> -> memref<128x128xf32, #tpu.memory_space<hbm>>
        tpu.enqueue_dma source(%dma_start3A_150 : memref<128x128xf32, #tpu.memory_space<hbm>>) target(%arg7 : memref<128x128xf32, #tpu.memory_space<vmem>>) target_semaphore(%arg14 : memref<!tpu.dma_semaphore, #tpu.memory_space<semaphore_mem>>)
      } else {
      }
      %mul3A_119 = arith.constant 2 : i32
      %mul3A_120 = arith.muli %scan3A_96, %mul3A_119 : i32
      %add3A_121 = arith.constant 1 : i32
      %add3A_122 = arith.addi %mul3A_120, %add3A_121 : i32
      %scan3A_123 = arith.constant 0 : i32
      %scan3A_124 = arith.constant 0 : i32
      %scan3A_125 = arith.constant 8 : i32
      %scan3A_126 = arith.addi %scan3A_124, %scan3A_125 : i32
      %scan3A_127 = arith.constant 1 : i32
      scf.for %scan3A_142 = %scan3A_124 to %scan3A_126 step %scan3A_127  : i32 {
        %mul3A_143 = arith.constant 128 : i32
        %mul3A_144 = arith.muli %add3A_122, %mul3A_143 : i32
        %mul3A_145 = arith.constant 16 : i32
        %mul3A_146 = arith.muli %scan3A_142, %mul3A_145 : i32
        %add3A_147 = arith.addi %mul3A_144, %mul3A_146 : i32
        %get3A = arith.index_cast %add3A_147 : i32 to index
        %get3A_148 = tpu.vector_load %arg12[%get3A] {strides = array<i32>} : memref<4416xi32, #tpu.memory_space<vmem>>, vector<16xi32>,
        %get3A_149 = vector.shape_cast %get3A_148 : vector<16xi32> to vector<16xi32>
        %mul3A_150 = arith.constant 16 : i32
        %mul3A_151 = arith.muli %scan3A_142, %mul3A_150 : i32
        %swap3A = arith.index_cast %mul3A_151 : i32 to index
        %swap3A_152 = tpu.vector_load %arg10[%swap3A] {strides = array<i32>} : memref<128xi32, #tpu.memory_space<vmem>>, vector<16xi32>,
        %swap3A_153 = vector.shape_cast %swap3A_152 : vector<16xi32> to vector<16xi32>
        %swap3A_154 = vector.shape_cast %get3A_149 : vector<16xi32> to vector<16xi32>
        tpu.vector_store %arg10[%swap3A], %swap3A_154 {strides = array<i32>} : memref<128xi32, #tpu.memory_space<vmem>>, vector<16xi32>,
      }
      %scan3A_128 = arith.constant 8 : i32
      %dma_wait3A_129 = arith.constant 0 : i32
      %dma_wait3A_130 = arith.constant 0 : i32
      %dma_wait3A_131 = tpu.memref_slice %arg2[%dma_wait3A_129, %dma_wait3A_130] : memref<320000x128xf32, #tpu.memory_space<hbm>> -> memref<128x128xf32, #tpu.memory_space<hbm>>
      %dma_wait3A_132 = arith.constant 0 : i32
      %dma_wait3A_133 = arith.constant 0 : i32
      %dma_wait3A_134 = tpu.memref_slice %arg2[%dma_wait3A_132, %dma_wait3A_133] : memref<320000x128xf32, #tpu.memory_space<hbm>> -> memref<128x128xf32, #tpu.memory_space<hbm>>
      tpu.wait_dma2 semaphore(%arg15 : memref<!tpu.dma_semaphore, #tpu.memory_space<semaphore_mem>>) src(%dma_wait3A_134 : memref<128x128xf32, #tpu.memory_space<hbm>>) dst(%arg8 : memref<128x128xf32, #tpu.memory_space<vmem>>)
      "tpu.region"() ({
        %run_scoped3A = tpu.sem_alloc : memref<!tpu.dma_semaphore, #tpu.memory_space<semaphore_mem>>
        %dma_start3A_142 = arith.constant 0 : i32
        %dma_start3A_143 = arith.constant 0 : i32
        %dma_start3A_144 = tpu.memref_slice %arg6[%dma_start3A_142, %dma_start3A_143] : memref<10112x128xf32, #tpu.memory_space<vmem_shared>> -> memref<10112x128xf32, #tpu.memory_space<vmem_shared>>
        tpu.enqueue_indirect_dma source(%arg8 : memref<128x128xf32, #tpu.memory_space<vmem>>) target(%dma_start3A_144 : memref<10112x128xf32, #tpu.memory_space<vmem_shared>>) offsets(%arg10 : memref<128xi32, #tpu.memory_space<vmem>>) semaphore(%run_scoped3A : memref<!tpu.dma_semaphore, #tpu.memory_space<semaphore_mem>>) {add = true}
        %dma_wait3A_145 = arith.constant 0 : i32
        %dma_wait3A_146 = arith.constant 0 : i32
        %dma_wait3A_147 = tpu.memref_slice %arg6[%dma_wait3A_145, %dma_wait3A_146] : memref<10112x128xf32, #tpu.memory_space<vmem_shared>> -> memref<10112x128xf32, #tpu.memory_space<vmem_shared>>
        tpu.wait_indirect_dma semaphore(%run_scoped3A : memref<!tpu.dma_semaphore, #tpu.memory_space<semaphore_mem>>) src(%arg8 : memref<128x128xf32, #tpu.memory_space<vmem>>) dst(%dma_wait3A_147 : memref<10112x128xf32, #tpu.memory_space<vmem_shared>>)
        tpu.yield
      }) : () -> ()
      %add3A_135 = arith.constant 2 : i32
      %add3A_136 = arith.addi %add3A_122, %add3A_135 : i32
      %lt3A_137 = arith.constant 34 : i32
      %lt3A_138 = arith.cmpi slt, %add3A_136, %lt3A_137 : i32
      %convert_element_type3A_139 = arith.extui %lt3A_138 : i1 to i32
      %cond3A_140 = arith.constant 0 : i32
      %cond3A_141 = arith.cmpi ne, %convert_element_type3A_139, %cond3A_140 : i32
      scf.if %cond3A_141 {
        %add3A_142 = arith.constant 2 : i32
        %add3A_143 = arith.addi %add3A_122, %add3A_142 : i32
        %mul3A_144 = arith.constant 128 : i32
        %mul3A_145 = arith.muli %add3A_143, %mul3A_144 : i32
        %add3A_146 = arith.addi %mul3A_2, %mul3A_145 : i32
        %dma_start3A_147 = arith.constant 0 : i32
        %dma_start3A_148 = tpu.memref_slice %arg2[%add3A_146, %dma_start3A_147] : memref<320000x128xf32, #tpu.memory_space<hbm>> -> memref<128x128xf32, #tpu.memory_space<hbm>>
        %dma_start3A_149 = arith.constant 0 : i32
        %dma_start3A_150 = tpu.memref_slice %arg2[%add3A_146, %dma_start3A_149] : memref<320000x128xf32, #tpu.memory_space<hbm>> -> memref<128x128xf32, #tpu.memory_space<hbm>>
        tpu.enqueue_dma source(%dma_start3A_150 : memref<128x128xf32, #tpu.memory_space<hbm>>) target(%arg8 : memref<128x128xf32, #tpu.memory_space<vmem>>) target_semaphore(%arg15 : memref<!tpu.dma_semaphore, #tpu.memory_space<semaphore_mem>>)
      } else {
      }
    }
    %scan3A_79 = arith.constant 17 : i32
    %add3A_80 = arith.constant 4352 : i32
    %add3A_81 = arith.addi %mul3A_2, %add3A_80 : i32
    "tpu.region"() ({
      %run_scoped3A = tpu.sem_alloc : memref<!tpu.dma_semaphore, #tpu.memory_space<semaphore_mem>>
      %dma_start3A_96 = arith.constant 0 : i32
      %dma_start3A_97 = arith.constant 0 : i32
      %dma_start3A_98 = tpu.memref_slice %arg7[%dma_start3A_96, %dma_start3A_97] : memref<128x128xf32, #tpu.memory_space<vmem>> -> memref<48x128xf32, #tpu.memory_space<vmem>>
      %dma_start3A_99 = arith.constant 0 : i32
      %dma_start3A_100 = tpu.memref_slice %arg2[%add3A_81, %dma_start3A_99] : memref<320000x128xf32, #tpu.memory_space<hbm>> -> memref<48x128xf32, #tpu.memory_space<hbm>>
      %dma_start3A_101 = arith.constant 0 : i32
      %dma_start3A_102 = arith.constant 0 : i32
      %dma_start3A_103 = tpu.memref_slice %arg7[%dma_start3A_101, %dma_start3A_102] : memref<128x128xf32, #tpu.memory_space<vmem>> -> memref<48x128xf32, #tpu.memory_space<vmem>>
      %dma_start3A_104 = arith.constant 0 : i32
      %dma_start3A_105 = tpu.memref_slice %arg2[%add3A_81, %dma_start3A_104] : memref<320000x128xf32, #tpu.memory_space<hbm>> -> memref<48x128xf32, #tpu.memory_space<hbm>>
      tpu.enqueue_dma source(%dma_start3A_105 : memref<48x128xf32, #tpu.memory_space<hbm>>) target(%dma_start3A_103 : memref<48x128xf32, #tpu.memory_space<vmem>>) target_semaphore(%run_scoped3A : memref<!tpu.dma_semaphore, #tpu.memory_space<semaphore_mem>>)
      %dma_wait3A_106 = arith.constant 0 : i32
      %dma_wait3A_107 = arith.constant 0 : i32
      %dma_wait3A_108 = tpu.memref_slice %arg7[%dma_wait3A_106, %dma_wait3A_107] : memref<128x128xf32, #tpu.memory_space<vmem>> -> memref<48x128xf32, #tpu.memory_space<vmem>>
      %dma_wait3A_109 = arith.constant 0 : i32
      %dma_wait3A_110 = tpu.memref_slice %arg2[%add3A_81, %dma_wait3A_109] : memref<320000x128xf32, #tpu.memory_space<hbm>> -> memref<48x128xf32, #tpu.memory_space<hbm>>
      %dma_wait3A_111 = arith.constant 0 : i32
      %dma_wait3A_112 = arith.constant 0 : i32
      %dma_wait3A_113 = tpu.memref_slice %arg7[%dma_wait3A_111, %dma_wait3A_112] : memref<128x128xf32, #tpu.memory_space<vmem>> -> memref<48x128xf32, #tpu.memory_space<vmem>>
      %dma_wait3A_114 = arith.constant 0 : i32
      %dma_wait3A_115 = tpu.memref_slice %arg2[%add3A_81, %dma_wait3A_114] : memref<320000x128xf32, #tpu.memory_space<hbm>> -> memref<48x128xf32, #tpu.memory_space<hbm>>
      tpu.wait_dma2 semaphore(%run_scoped3A : memref<!tpu.dma_semaphore, #tpu.memory_space<semaphore_mem>>) src(%dma_wait3A_115 : memref<48x128xf32, #tpu.memory_space<hbm>>) dst(%dma_wait3A_113 : memref<48x128xf32, #tpu.memory_space<vmem>>)
      tpu.yield
    }) : () -> ()
    %scan3A_82 = arith.constant 0 : i32
    %scan3A_83 = arith.constant 0 : i32
    %scan3A_84 = arith.constant 3 : i32
    %scan3A_85 = arith.addi %scan3A_83, %scan3A_84 : i32
    %scan3A_86 = arith.constant 1 : i32
    scf.for %scan3A_96 = %scan3A_83 to %scan3A_85 step %scan3A_86  : i32 {
      %mul3A_97 = arith.constant 16 : i32
      %mul3A_98 = arith.muli %scan3A_96, %mul3A_97 : i32
      %add3A_99 = arith.constant 4352 : i32
      %add3A_100 = arith.addi %add3A_99, %mul3A_98 : i32
      %get3A = arith.index_cast %add3A_100 : i32 to index
      %get3A_101 = tpu.vector_load %arg12[%get3A] {strides = array<i32>} : memref<4416xi32, #tpu.memory_space<vmem>>, vector<16xi32>,
      %get3A_102 = vector.shape_cast %get3A_101 : vector<16xi32> to vector<16xi32>
      %mul3A_103 = arith.constant 16 : i32
      %mul3A_104 = arith.muli %scan3A_96, %mul3A_103 : i32
      %swap3A = arith.index_cast %mul3A_104 : i32 to index
      %swap3A_105 = tpu.vector_load %arg11[%swap3A] {strides = array<i32>} : memref<48xi32, #tpu.memory_space<vmem>>, vector<16xi32>,
      %swap3A_106 = vector.shape_cast %swap3A_105 : vector<16xi32> to vector<16xi32>
      %swap3A_107 = vector.shape_cast %get3A_102 : vector<16xi32> to vector<16xi32>
      tpu.vector_store %arg11[%swap3A], %swap3A_107 {strides = array<i32>} : memref<48xi32, #tpu.memory_space<vmem>>, vector<16xi32>,
    }
    %scan3A_87 = arith.constant 3 : i32
    "tpu.region"() ({
      %run_scoped3A = tpu.sem_alloc : memref<!tpu.dma_semaphore, #tpu.memory_space<semaphore_mem>>
      %dma_start3A_96 = arith.constant 0 : i32
      %dma_start3A_97 = arith.constant 0 : i32
      %dma_start3A_98 = tpu.memref_slice %arg7[%dma_start3A_96, %dma_start3A_97] : memref<128x128xf32, #tpu.memory_space<vmem>> -> memref<48x128xf32, #tpu.memory_space<vmem>>
      %dma_start3A_99 = arith.constant 0 : i32
      %dma_start3A_100 = arith.constant 0 : i32
      %dma_start3A_101 = tpu.memref_slice %arg6[%dma_start3A_99, %dma_start3A_100] : memref<10112x128xf32, #tpu.memory_space<vmem_shared>> -> memref<10112x128xf32, #tpu.memory_space<vmem_shared>>
      tpu.enqueue_indirect_dma source(%dma_start3A_98 : memref<48x128xf32, #tpu.memory_space<vmem>>) target(%dma_start3A_101 : memref<10112x128xf32, #tpu.memory_space<vmem_shared>>) offsets(%arg11 : memref<48xi32, #tpu.memory_space<vmem>>) semaphore(%run_scoped3A : memref<!tpu.dma_semaphore, #tpu.memory_space<semaphore_mem>>) {add = true}
      %dma_wait3A_102 = arith.constant 0 : i32
      %dma_wait3A_103 = arith.constant 0 : i32
      %dma_wait3A_104 = tpu.memref_slice %arg7[%dma_wait3A_102, %dma_wait3A_103] : memref<128x128xf32, #tpu.memory_space<vmem>> -> memref<48x128xf32, #tpu.memory_space<vmem>>
      %dma_wait3A_105 = arith.constant 0 : i32
      %dma_wait3A_106 = arith.constant 0 : i32
      %dma_wait3A_107 = tpu.memref_slice %arg6[%dma_wait3A_105, %dma_wait3A_106] : memref<10112x128xf32, #tpu.memory_space<vmem_shared>> -> memref<10112x128xf32, #tpu.memory_space<vmem_shared>>
      tpu.wait_indirect_dma semaphore(%run_scoped3A : memref<!tpu.dma_semaphore, #tpu.memory_space<semaphore_mem>>) src(%dma_wait3A_104 : memref<48x128xf32, #tpu.memory_space<vmem>>) dst(%dma_wait3A_107 : memref<10112x128xf32, #tpu.memory_space<vmem_shared>>)
      tpu.yield
    }) : () -> ()
    %barrier3A_88 = arith.constant 0 : index
    tpu.barrier barrier_id(%barrier3A_88)
    %eq3A = arith.constant 0 : i32
    %eq3A_89 = arith.cmpi eq, %arg0, %eq3A : i32
    %convert_element_type3A = arith.extui %eq3A_89 : i1 to i32
    %cond3A = arith.constant 0 : i32
    %cond3A_90 = arith.cmpi ne, %convert_element_type3A, %cond3A : i32
    scf.if %cond3A_90 {
      "tpu.region"() ({
        %run_scoped3A = tpu.sem_alloc : memref<!tpu.dma_semaphore, #tpu.memory_space<semaphore_mem>>
        %dma_start3A_96 = arith.constant 0 : i32
        %dma_start3A_97 = tpu.memref_slice %arg4[%mul3A_26, %dma_start3A_96] : memref<10112x128xf32, #tpu.memory_space<hbm>> -> memref<632x128xf32, #tpu.memory_space<hbm>>
        %dma_start3A_98 = arith.constant 0 : i32
        %dma_start3A_99 = tpu.memref_slice %arg6[%mul3A_26, %dma_start3A_98] : memref<10112x128xf32, #tpu.memory_space<vmem_shared>> -> memref<632x128xf32, #tpu.memory_space<vmem_shared>>
        tpu.enqueue_dma source(%dma_start3A_99 : memref<632x128xf32, #tpu.memory_space<vmem_shared>>) target(%dma_start3A_97 : memref<632x128xf32, #tpu.memory_space<hbm>>) target_semaphore(%run_scoped3A : memref<!tpu.dma_semaphore, #tpu.memory_space<semaphore_mem>>)
        %dma_wait3A_100 = arith.constant 0 : i32
        %dma_wait3A_101 = tpu.memref_slice %arg4[%mul3A_26, %dma_wait3A_100] : memref<10112x128xf32, #tpu.memory_space<hbm>> -> memref<632x128xf32, #tpu.memory_space<hbm>>
        %dma_wait3A_102 = arith.constant 0 : i32
        %dma_wait3A_103 = tpu.memref_slice %arg6[%mul3A_26, %dma_wait3A_102] : memref<10112x128xf32, #tpu.memory_space<vmem_shared>> -> memref<632x128xf32, #tpu.memory_space<vmem_shared>>
        tpu.wait_dma2 semaphore(%run_scoped3A : memref<!tpu.dma_semaphore, #tpu.memory_space<semaphore_mem>>) src(%dma_wait3A_103 : memref<632x128xf32, #tpu.memory_space<vmem_shared>>) dst(%dma_wait3A_101 : memref<632x128xf32, #tpu.memory_space<hbm>>)
        tpu.yield
      }) : () -> ()
    } else {
    }
    %eq3A_91 = arith.constant 1 : i32
    %eq3A_92 = arith.cmpi eq, %arg0, %eq3A_91 : i32
    %convert_element_type3A_93 = arith.extui %eq3A_92 : i1 to i32
    %cond3A_94 = arith.constant 0 : i32
    %cond3A_95 = arith.cmpi ne, %convert_element_type3A_93, %cond3A_94 : i32
    scf.if %cond3A_95 {
      "tpu.region"() ({
        %run_scoped3A = tpu.sem_alloc : memref<!tpu.dma_semaphore, #tpu.memory_space<semaphore_mem>>
        %dma_start3A_96 = arith.constant 0 : i32
        %dma_start3A_97 = tpu.memref_slice %arg5[%mul3A_26, %dma_start3A_96] : memref<10112x128xf32, #tpu.memory_space<hbm>> -> memref<632x128xf32, #tpu.memory_space<hbm>>
        %dma_start3A_98 = arith.constant 0 : i32
        %dma_start3A_99 = tpu.memref_slice %arg6[%mul3A_26, %dma_start3A_98] : memref<10112x128xf32, #tpu.memory_space<vmem_shared>> -> memref<632x128xf32, #tpu.memory_space<vmem_shared>>
        tpu.enqueue_dma source(%dma_start3A_99 : memref<632x128xf32, #tpu.memory_space<vmem_shared>>) target(%dma_start3A_97 : memref<632x128xf32, #tpu.memory_space<hbm>>) target_semaphore(%run_scoped3A : memref<!tpu.dma_semaphore, #tpu.memory_space<semaphore_mem>>)
        %dma_wait3A_100 = arith.constant 0 : i32
        %dma_wait3A_101 = tpu.memref_slice %arg5[%mul3A_26, %dma_wait3A_100] : memref<10112x128xf32, #tpu.memory_space<hbm>> -> memref<632x128xf32, #tpu.memory_space<hbm>>
        %dma_wait3A_102 = arith.constant 0 : i32
        %dma_wait3A_103 = tpu.memref_slice %arg6[%mul3A_26, %dma_wait3A_102] : memref<10112x128xf32, #tpu.memory_space<vmem_shared>> -> memref<632x128xf32, #tpu.memory_space<vmem_shared>>
        tpu.wait_dma2 semaphore(%run_scoped3A : memref<!tpu.dma_semaphore, #tpu.memory_space<semaphore_mem>>) src(%dma_wait3A_103 : memref<632x128xf32, #tpu.memory_space<vmem_shared>>) dst(%dma_wait3A_101 : memref<632x128xf32, #tpu.memory_space<hbm>>)
        tpu.yield
      }) : () -> ()
    } else {
    }
    return
  }
}

module attributes {stable_mosaic.version = 14 : i64} {
  func.func @_tc_body(%arg0: i32, %arg1: memref<2000x128xf32, #tpu.memory_space<vmem>>, %arg2: memref<2000x128xf32, #tpu.memory_space<vmem>>, %arg3: memref<2000x128xf32, #tpu.memory_space<vmem>>, %arg4: memref<128x128xf32, #tpu.memory_space<vmem>>, %arg5: memref<1x128xf32, #tpu.memory_space<vmem>>, %arg6: memref<1x128xf32, #tpu.memory_space<vmem>>, %arg7: memref<1x1xf32, #tpu.memory_space<vmem>>, %arg8: memref<2000x1xf32, #tpu.memory_space<vmem>>) attributes {dimension_semantics = [#tpu.dimension_semantics<arbitrary>], iteration_bounds = array<i64: 5>, scalar_prefetch = 0 : i64, scratch_operands = 0 : i64, tpu.core_type = #tpu.core_type<tc>, window_params = [{transform_indices = @transform_0, window_bounds = array<i64: 2000, 128>}, {transform_indices = @transform_1, window_bounds = array<i64: 2000, 128>}, {transform_indices = @transform_2, window_bounds = array<i64: 2000, 128>}, {pipeline_mode = #tpu.pipeline_mode<synchronous>, transform_indices = @transform_3, window_bounds = array<i64: 128, 128>}, {pipeline_mode = #tpu.pipeline_mode<synchronous>, transform_indices = @transform_4, window_bounds = array<i64: 1, 128>}, {pipeline_mode = #tpu.pipeline_mode<synchronous>, transform_indices = @transform_5, window_bounds = array<i64: 1, 128>}, {pipeline_mode = #tpu.pipeline_mode<synchronous>, transform_indices = @transform_6, window_bounds = array<i64: 1, 1>}, {transform_indices = @transform_7, window_bounds = array<i64: 2000, 1>}]} {
    %get3A = arith.constant 0 : index
    %get3A_0 = arith.constant 0 : index
    %get3A_1 = vector.load %arg1[%get3A, %get3A_0] : memref<2000x128xf32, #tpu.memory_space<vmem>>, vector<2000x128xf32>
    %get3A_2 = arith.constant 0 : index
    %get3A_3 = arith.constant 0 : index
    %get3A_4 = vector.load %arg2[%get3A_2, %get3A_3] : memref<2000x128xf32, #tpu.memory_space<vmem>>, vector<2000x128xf32>
    %add3A = arith.addf %get3A_1, %get3A_4 : vector<2000x128xf32>
    %get3A_5 = arith.constant 0 : index
    %get3A_6 = arith.constant 0 : index
    %get3A_7 = vector.load %arg3[%get3A_5, %get3A_6] : memref<2000x128xf32, #tpu.memory_space<vmem>>, vector<2000x128xf32>
    %add3A_8 = arith.addf %add3A, %get3A_7 : vector<2000x128xf32>
    %get3A_9 = arith.constant 0 : index
    %get3A_10 = arith.constant 0 : index
    %get3A_11 = vector.load %arg4[%get3A_9, %get3A_10] : memref<128x128xf32, #tpu.memory_space<vmem>>, vector<128x128xf32>
    %transpose3A = tpu.transpose %get3A_11, [1, 0] : vector<128x128xf32> -> vector<128x128xf32>
    %dot_general3A = arith.constant dense<0.000000e+00> : vector<2000x128xf32>
    %dot_general3A_12 = tpu.matmul %add3A_8, %transpose3A, %dot_general3A {dimension_numbers = #tpu.dot_dimension_numbers<[1], [0], [0], [1], [0, 0, 1, 1], [], []>, transpose_lhs_hint = false} : vector<2000x128xf32>, vector<128x128xf32>, vector<2000x128xf32> -> vector<2000x128xf32>
    %get3A_13 = arith.constant 0 : index
    %get3A_14 = arith.constant 0 : index
    %get3A_15 = vector.load %arg5[%get3A_13, %get3A_14] : memref<1x128xf32, #tpu.memory_space<vmem>>, vector<1x128xf32>
    %add3A_16 = vector.broadcast %get3A_15 : vector<1x128xf32> to vector<2000x128xf32>
    %add3A_17 = arith.addf %dot_general3A_12, %add3A_16 : vector<2000x128xf32>
    %logistic3A = arith.negf %add3A_17 : vector<2000x128xf32>
    %logistic3A_18 = math.exp %logistic3A : vector<2000x128xf32>
    %logistic3A_19 = arith.constant 1.000000e+00 : f32
    %logistic3A_20 = vector.broadcast %logistic3A_19 : f32 to vector<2000x128xf32>
    %logistic3A_21 = arith.addf %logistic3A_20, %logistic3A_18 : vector<2000x128xf32>
    %logistic3A_22 = arith.divf %logistic3A_20, %logistic3A_21 : vector<2000x128xf32>
    %mul3A = arith.mulf %add3A_17, %logistic3A_22 : vector<2000x128xf32>
    %get3A_23 = arith.constant 0 : index
    %get3A_24 = arith.constant 0 : index
    %get3A_25 = vector.load %arg6[%get3A_23, %get3A_24] : memref<1x128xf32, #tpu.memory_space<vmem>>, vector<1x128xf32>
    %mul3A_26 = vector.broadcast %get3A_25 : vector<1x128xf32> to vector<2000x128xf32>
    %mul3A_27 = arith.mulf %mul3A, %mul3A_26 : vector<2000x128xf32>
    %reduce_sum3A = arith.constant dense<0.000000e+00> : vector<2000xf32>
    %reduce_sum3A_28 = vector.multi_reduction <add>, %mul3A_27, %reduce_sum3A [1] : vector<2000x128xf32> to vector<2000xf32>
    %broadcast_in_dim3A = vector.shape_cast %reduce_sum3A_28 : vector<2000xf32> to vector<2000x1xf32>
    %get3A_29 = arith.constant 0 : index
    %get3A_30 = arith.constant 0 : index
    %get3A_31 = vector.load %arg7[%get3A_29, %get3A_30] : memref<1x1xf32, #tpu.memory_space<vmem>>, vector<1x1xf32>
    %add3A_32 = vector.broadcast %get3A_31 : vector<1x1xf32> to vector<2000x1xf32>
    %add3A_33 = arith.addf %broadcast_in_dim3A, %add3A_32 : vector<2000x1xf32>
    %swap3A = arith.constant 0 : index
    %swap3A_34 = arith.constant 0 : index
    %swap3A_35 = vector.load %arg8[%swap3A, %swap3A_34] : memref<2000x1xf32, #tpu.memory_space<vmem>>, vector<2000x1xf32>
    tpu.vector_store %arg8[%swap3A, %swap3A_34], %add3A_33 {strides = array<i32>} : memref<2000x1xf32, #tpu.memory_space<vmem>>, vector<2000x1xf32>,
    return
  }
  func.func @transform_0(%arg0: i32) -> (i32, i32) {
    %c0_i32 = arith.constant 0 : i32
    %c0_i32_0 = arith.constant 0 : i32
    return %arg0, %c0_i32 : i32, i32
  }
  func.func @transform_1(%arg0: i32) -> (i32, i32) {
    %c0_i32 = arith.constant 0 : i32
    %c0_i32_0 = arith.constant 0 : i32
    return %arg0, %c0_i32 : i32, i32
  }
  func.func @transform_2(%arg0: i32) -> (i32, i32) {
    %c0_i32 = arith.constant 0 : i32
    %c0_i32_0 = arith.constant 0 : i32
    return %arg0, %c0_i32 : i32, i32
  }
  func.func @transform_3(%arg0: i32) -> (i32, i32) {
    %c0_i32 = arith.constant 0 : i32
    %c0_i32_0 = arith.constant 0 : i32
    %c0_i32_1 = arith.constant 0 : i32
    return %c0_i32, %c0_i32_0 : i32, i32
  }
  func.func @transform_4(%arg0: i32) -> (i32, i32) {
    %c0_i32 = arith.constant 0 : i32
    %c0_i32_0 = arith.constant 0 : i32
    %c0_i32_1 = arith.constant 0 : i32
    return %c0_i32, %c0_i32_0 : i32, i32
  }
  func.func @transform_5(%arg0: i32) -> (i32, i32) {
    %c0_i32 = arith.constant 0 : i32
    %c0_i32_0 = arith.constant 0 : i32
    %c0_i32_1 = arith.constant 0 : i32
    return %c0_i32, %c0_i32_0 : i32, i32
  }
  func.func @transform_6(%arg0: i32) -> (i32, i32) {
    %c0_i32 = arith.constant 0 : i32
    %c0_i32_0 = arith.constant 0 : i32
    %c0_i32_1 = arith.constant 0 : i32
    return %c0_i32, %c0_i32_0 : i32, i32
  }
  func.func @transform_7(%arg0: i32) -> (i32, i32) {
    %c0_i32 = arith.constant 0 : i32
    %c0_i32_0 = arith.constant 0 : i32
    return %arg0, %c0_i32 : i32, i32
  }
}

module attributes {stable_mosaic.version = 14 : i64} {
  func.func @_tc_scatter_body(%arg0: i32, %arg1: memref<1280x128xf32, #tpu.memory_space<vmem>>, %arg2: memref<1x1x1280xi32, #tpu.memory_space<vmem>>, %arg3: memref<10056x128xf32, #tpu.memory_space<vmem>>) attributes {dimension_semantics = [#tpu.dimension_semantics<arbitrary>], iteration_bounds = array<i64: 140>, scalar_prefetch = 0 : i64, scratch_operands = 0 : i64, tpu.core_type = #tpu.core_type<tc>, window_params = [{transform_indices = @transform_0, window_bounds = array<i64: 1280, 128>}, {transform_indices = @transform_1, window_bounds = array<i64: 1, 1, 1280>}, {pipeline_mode = #tpu.pipeline_mode<synchronous>, transform_indices = @transform_2, window_bounds = array<i64: 10056, 128>}]} {
    %eq3A = arith.constant 0 : i32
    %eq3A_0 = arith.cmpi eq, %arg0, %eq3A : i32
    %convert_element_type3A = arith.extui %eq3A_0 : i1 to i32
    %cond3A = arith.constant 0 : i32
    %cond3A_1 = arith.cmpi ne, %convert_element_type3A, %cond3A : i32
    scf.if %cond3A_1 {
      %broadcast_in_dim3A_27 = arith.constant 0.000000e+00 : f32
      %broadcast_in_dim3A_28 = vector.broadcast %broadcast_in_dim3A_27 : f32 to vector<10056x128xf32>
      %swap3A_29 = arith.constant 0 : index
      %swap3A_30 = arith.constant 0 : index
      %swap3A_31 = vector.load %arg3[%swap3A_29, %swap3A_30] : memref<10056x128xf32, #tpu.memory_space<vmem>>, vector<10056x128xf32>
      tpu.vector_store %arg3[%swap3A_29, %swap3A_30], %broadcast_in_dim3A_28 {strides = array<i32>} : memref<10056x128xf32, #tpu.memory_space<vmem>>, vector<10056x128xf32>,
    } else {
    }
    %get3A = arith.constant 0 : index
    %get3A_2 = arith.constant 0 : index
    %get3A_3 = arith.constant 0 : index
    %get3A_4 = vector.load %arg2[%get3A, %get3A_2, %get3A_3] : memref<1x1x1280xi32, #tpu.memory_space<vmem>>, vector<1x1x1280xi32>
    %reshape3A = vector.shape_cast %get3A_4 : vector<1x1x1280xi32> to vector<1x1280xi32>
    %reduce_min3A = vector.shape_cast %reshape3A : vector<1x1280xi32> to vector<1x1x1280xi32>
    %reduce_min3A_5 = arith.constant dense<2147483647> : vector<1xi32>
    %reduce_min3A_6 = vector.multi_reduction <minsi>, %reduce_min3A, %reduce_min3A_5 [1, 2] : vector<1x1x1280xi32> to vector<1xi32>
    %reduce_min3A_7 = vector.shape_cast %reduce_min3A_6 : vector<1xi32> to vector<1x1x1xi32>
    %reduce_min3A_8 = vector.extract %reduce_min3A_7[0, 0, 0] : i32 from vector<1x1x1xi32>
    %and3A = arith.constant -8 : i32
    %and3A_9 = arith.andi %reduce_min3A_8, %and3A : i32
    %sub3A = vector.broadcast %and3A_9 : i32 to vector<1x1280xi32>
    %sub3A_10 = arith.subi %reshape3A, %sub3A : vector<1x1280xi32>
    %broadcast_in_dim3A = arith.constant true
    %broadcast_in_dim3A_11 = vector.broadcast %broadcast_in_dim3A : i1 to vector<1x1280xi1>
    %iota3A = tpu.iota {dimensions = array<i32: 0>} : vector<64x1280xi32>
    %eq3A_12 = vector.broadcast %sub3A_10 : vector<1x1280xi32> to vector<64x1280xi32>
    %eq3A_13 = arith.cmpi eq, %iota3A, %eq3A_12 : vector<64x1280xi32>
    %and3A_14 = vector.broadcast %broadcast_in_dim3A_11 : vector<1x1280xi1> to vector<64x1280xi1>
    %and3A_15 = arith.andi %eq3A_13, %and3A_14 : vector<64x1280xi1>
    %convert_element_type3A_16 = arith.extui %and3A_15 : vector<64x1280xi1> to vector<64x1280xi32>
    %convert_element_type3A_17 = arith.sitofp %convert_element_type3A_16 : vector<64x1280xi32> to vector<64x1280xf32>
    %get3A_18 = arith.constant 0 : index
    %get3A_19 = arith.constant 0 : index
    %get3A_20 = vector.load %arg1[%get3A_18, %get3A_19] : memref<1280x128xf32, #tpu.memory_space<vmem>>, vector<1280x128xf32>
    %dot_general3A = arith.constant dense<0.000000e+00> : vector<64x128xf32>
    %dot_general3A_21 = tpu.matmul %convert_element_type3A_17, %get3A_20, %dot_general3A {dimension_numbers = #tpu.dot_dimension_numbers<[1], [0], [0], [1], [0, 0, 1, 1], [], []>, transpose_lhs_hint = false} : vector<64x1280xf32>, vector<1280x128xf32>, vector<64x128xf32> -> vector<64x128xf32>
    %get3A_22 = arith.constant 0 : index
    %get3A_23 = arith.constant 0 : index
    %get3A_24 = vector.load %arg3[%get3A_22, %get3A_23] : memref<10056x128xf32, #tpu.memory_space<vmem>>, vector<64x128xf32>
    %add3A = arith.addf %get3A_24, %dot_general3A_21 : vector<64x128xf32>
    %swap3A = arith.constant 0 : index
    %swap3A_25 = arith.constant 0 : index
    %swap3A_26 = vector.load %arg3[%swap3A, %swap3A_25] : memref<10056x128xf32, #tpu.memory_space<vmem>>, vector<64x128xf32>
    tpu.vector_store %arg3[%swap3A, %swap3A_25], %add3A {strides = array<i32>} : memref<10056x128xf32, #tpu.memory_space<vmem>>, vector<64x128xf32>,
    return
  }
  func.func @transform_0(%arg0: i32) -> (i32, i32) {
    %add3A = arith.constant 110 : i32
    %add3A_0 = arith.addi %arg0, %add3A : i32
    %c0_i32 = arith.constant 0 : i32
    %c0_i32_1 = arith.constant 0 : i32
    return %add3A_0, %c0_i32 : i32, i32
  }
  func.func @transform_1(%arg0: i32) -> (i32, i32, i32) {
    %add3A = arith.constant 110 : i32
    %add3A_0 = arith.addi %arg0, %add3A : i32
    %c0_i32 = arith.constant 0 : i32
    %c0_i32_1 = arith.constant 0 : i32
    %c0_i32_2 = arith.constant 0 : i32
    return %add3A_0, %c0_i32, %c0_i32_1 : i32, i32, i32
  }
  func.func @transform_2(%arg0: i32) -> (i32, i32) {
    %c0_i32 = arith.constant 0 : i32
    %c0_i32_0 = arith.constant 0 : i32
    %c0_i32_1 = arith.constant 0 : i32
    return %c0_i32, %c0_i32_0 : i32, i32
  }
}

</mosaic_0001>

<sc_bundles>
// kernel: kernel.5.cloned.1.call-start
scs
__scs_entry_jumppad:
0x0: {  	(pc) =	sbr.rel $0x88, $3  }
0x1: {  	(tag) =	ssettag $0x0;
	lr =	simm.s32 $0x1  }
0x2: {  	[smem:$0x3F9B] =	sst lr;
	_ =	strace $0xD0000000  }
0x3: {  	_ = 	snop  }
0x4: {  	_ = 	snop  }
0x5: {  	_ = 	snop  }
0x6: {  	_ = 	snop  }
0x7: {  	_ = 	snop  }
__scs_overlays_trampoline_lowered:
0x8: {  	[smem:$0x3FAA] =	sst s0  }
0x9: {  	[smem:$0x3FAB] =	sst s1  }
0xa: {  	[smem:$0x3FAC] =	sst s2  }
0xb: {  	[smem:$0x3FAD] =	sst s3  }
0xc: {  	[smem:$0x3FAE] =	sst s4  }
0xd: {  	[smem:$0x3FAF] =	sst s5  }
0xe: {  	[smem:$0x3FB0] =	sst s6  }
0xf: {  	[smem:$0x3FB1] =	sst s7  }
0x10: {  	[smem:$0x3FB2] =	sst s8  }
0x11: {  	[smem:$0x3FB3] =	sst s9;
	s0 =	simm.s32 @!p0 $0x0  }
0x12: {  	s1 =	sld [smem:$0x3F99];
	s0 =	simm.s32 @p0 $0x1  }
0x13: {  	[smem:$0x3FB4] =	sst s0;
	s0 =	simm.s32 @!p1 $0x0  }
0x14: {  	s2 =	sld [smem:$0x3F98];
	s0 =	simm.s32 @p1 $0x1  }
0x15: {  	[smem:$0x3FB5] =	sst s0;
	s0 =	simm.s32 @!p2 $0x0  }
0x16: {  	s3 =	sld [smem:$0x3FDB];
	s0 =	simm.s32 @p2 $0x1  }
0x17: {  	s4 =	simm.s32 $0x1BF5;
	[smem:$0x3FB7] =	sst s0  }
0x18: {  	s0 =	sld [smem:$0x3F9A];
	_ =	swait.ge [sflag:s4], $0x0  }
0x19: {  	s7 =	sld [smem:$0x3F9B]  }
0x1a: {  	s8 =	sadd.s32 $0xFFFFE003, lr  }
0x1b: {  	s9 =	sadd.s32 $0xFFFFFEF7, lr;
	s5 =	simm.s32 $0xFFFFFFFF;
	p2 =	slt.u32 s8, $0xFFFFF086  }
0x1c: {  	p1 =	slt.u32 s9, $0xF7A;
	s5 =	simm.s32 @!p2 $0x0  }
0x1d: {  	s5 =	simm.s32 @p1 $0x1;
	p0 =	seq.s32 s7, s2  }
0x1e: {  	s7 =	smul.u32 @!p0 $0xF7A, s2;
	p2 =	seq.s32 @!p0 s5, $0x0  }
0x1f: {  	s9 =	smul.u32 $0xF7A, s1;
	s8 =	simm.s32 @!p0 $0x1BF5;
	p2 =	por !p2, p0  }
0x20: {  	[sflag:s8] =	ssyncset.s32 @!p0 $0xFFFFF086;
	s6 =	sadd.s32 @!p0 s3, s7;
	s7 =	simm.s32 @!p0 $0x108  }
0x21: {  	s3 =	sadd.s32 s3, s9;
	s6 =	sadd.s32 @!p0 $0x88, s6;
	s7 =	simm.s32 @p2 $0x1082  }
0x22: {  	[simem:s7], [sflag:s8] =	dma.local @!p0 [hbm:s6], $0xF7A  }
0x23: {  	s9 =	sor.u32 $0xD0000000, s2;
	s6 =	simm.s32 $0x108;
	_ =	swait.ge @!p0 [sflag:s8], $0x0  }
0x24: {  	s3 =	sadd.s32 $0x88, s3;
	s6 =	simm.s32 @!p1 $0x1082;
	[sflag:s4] =	ssyncset.s32 $0xFFFFF086  }
0x25: {  	[simem:s6], [sflag:s4] =	dma.local [hbm:s3], $0xF7A  }
0x26: {  	[smem:$0x3F9B] =	sst s1;
	(tag) =	ssettag s2;
	_ =	strace s9  }
0x27: {  	s1 =	sld [smem:$0x3FAB]  }
0x28: {  	s2 =	sld [smem:$0x3FAC]  }
0x29: {  	s4 =	sld [smem:$0x3FAE]  }
0x2a: {  	p0 =	seq.s32 s5, $0x0;
	s5 =	sld [smem:$0x3FAF]  }
0x2b: {  	s6 =	sld [smem:$0x3FB0]  }
0x2c: {  	s7 =	sld [smem:$0x3FB1]  }
0x2d: {  	s3 =	simm.s32 $0x108;
	s8 =	sld [smem:$0x3FB2]  }
0x2e: {  	s3 =	simm.s32 @!p0 $0x1082;
	s9 =	sld [smem:$0x3FB3]  }
0x2f: {  	lr =	sadd.s32 s0, s3;
	s0 =	sld [smem:$0x3FAA]  }
0x30: {  	s3 =	sld [smem:$0x3FAD]  }
0x31: {  	[smem:$0x3FB6] =	sst s10  }
0x32: {  	s10 =	sld [smem:$0x3FB4];
	_ =	sdelay $0x3  }
0x33: {  	p0 =	seq.s32 s10, $0x1;
	s10 =	sld [smem:$0x3FB6];
	_ =	sdelay $0x3  }
0x34: {  	[smem:$0x3FB6] =	sst s10  }
0x35: {  	s10 =	sld [smem:$0x3FB5];
	_ =	sdelay $0x3  }
0x36: {  	p1 =	seq.s32 s10, $0x1;
	s10 =	sld [smem:$0x3FB6];
	_ =	sdelay $0x3  }
0x37: {  	[smem:$0x3FB6] =	sst s10  }
0x38: {  	s10 =	sld [smem:$0x3FB7]  }
0x39: {  	_ = 	snop;
	(pc) =	sbr.ind lr, $3  }
0x3a: {  	_ = 	snop  }
0x3b: {  	_ = 	snop  }
0x3c: {  	p2 =	seq.s32 s10, $0x1;
	s10 =	sld [smem:$0x3FB6]  }
0x3d: {  	_ =	shalt  }
0x3e: {  	_ =	shalt  }
0x3f: {  	_ =	shalt  }
0x40: {  	_ =	shalt  }
0x41: {  	_ =	shalt  }
0x42: {  	_ =	shalt  }
0x43: {  	_ =	shalt  }
0x44: {  	_ =	shalt  }
0x45: {  	_ =	shalt  }
0x46: {  	_ =	shalt  }
0x47: {  	_ =	shalt  }
0x48: {  	_ =	shalt  }
0x49: {  	_ =	shalt  }
0x4a: {  	_ =	shalt  }
0x4b: {  	_ =	shalt  }
0x4c: {  	_ =	shalt  }
0x4d: {  	_ =	shalt  }
0x4e: {  	_ =	shalt  }
0x4f: {  	_ =	shalt  }
0x50: {  	_ =	shalt  }
0x51: {  	_ =	shalt  }
0x52: {  	_ =	shalt  }
0x53: {  	_ =	shalt  }
0x54: {  	_ =	shalt  }
0x55: {  	_ =	shalt  }
0x56: {  	_ =	shalt  }
0x57: {  	_ =	shalt  }
0x58: {  	_ =	shalt  }
0x59: {  	_ =	shalt  }
0x5a: {  	_ =	shalt  }
0x5b: {  	_ =	shalt  }
0x5c: {  	_ =	shalt  }
0x5d: {  	_ =	shalt  }
0x5e: {  	_ =	shalt  }
0x5f: {  	_ =	shalt  }
0x60: {  	_ =	shalt  }
0x61: {  	_ =	shalt  }
0x62: {  	_ =	shalt  }
0x63: {  	_ =	shalt  }
0x64: {  	_ =	shalt  }
0x65: {  	_ =	shalt  }
0x66: {  	_ =	shalt  }
0x67: {  	_ =	shalt  }
0x68: {  	_ =	shalt  }
0x69: {  	_ =	shalt  }
0x6a: {  	_ =	shalt  }
0x6b: {  	_ =	shalt  }
0x6c: {  	_ =	shalt  }
0x6d: {  	_ =	shalt  }
0x6e: {  	_ =	shalt  }
0x6f: {  	_ =	shalt  }
0x70: {  	_ =	shalt  }
0x71: {  	_ =	shalt  }
0x72: {  	_ =	shalt  }
0x73: {  	_ =	shalt  }
0x74: {  	_ =	shalt  }
0x75: {  	_ =	shalt  }
0x76: {  	_ =	shalt  }
0x77: {  	_ =	shalt  }
0x78: {  	_ =	shalt  }
0x79: {  	_ =	shalt  }
0x7a: {  	_ =	shalt  }
0x7b: {  	_ =	shalt  }
0x7c: {  	_ =	shalt  }
0x7d: {  	_ =	shalt  }
0x7e: {  	_ =	shalt  }
0x7f: {  	_ =	shalt  }
0x80: {  	_ =	shalt  }
0x81: {  	_ =	shalt  }
0x82: {  	_ =	shalt  }
0x83: {  	_ =	shalt  }
0x84: {  	_ =	shalt  }
0x85: {  	_ =	shalt  }
0x86: {  	_ =	shalt  }
0x87: {  	_ =	shalt  }
.Lfunc_end0:
.L_simem_size_0:
called_computation_lowered:
.L_overlay_start_0:
0x88: {  	s2 =	sld [smem:$0x3FD9]  }
0x89: {  	s3 =	sld [smem:$0x3FFE];
	_ =	sdelay $0x1  }
0x8a: {  	s1 =	srdreg.scid  }
0x8b: {  	s0 =	sand.u32 $0x1, s1  }
0x8c: {  	s17 =	sshll.u32 s0, $0xA;
	s2 =	sadd.s32 s3, s2  }
0x8d: {  	s2 =	sadd.s32 s2, s17  }
0x8e: {  	[smem:$0x3FC2] =	sst s2  }
0x8f: {  	_ = 	snop  }
0x90: {  	s2 =	sld [smem:$0x3FC9]  }
0x91: {  	s18 =	sld [smem:$0x3FC8];
	(tm) =	ssettm $0x1  }
0x92: {  	s4 =	sld [smem:$0x3FFB];
	_ =	sdelay $0x3  }
0x93: {  	_ =	strace s4  }
0x94: {  	s4 =	sld [smem:$0x3FFC];
	_ =	sdelay $0x3  }
0x95: {  	_ =	strace s4  }
0x96: {  	s4 =	sld [smem:$0x3FFD];
	_ =	sdelay $0x3  }
0x97: {  	_ =	strace s4  }
0x98: {  	_ =	strace $0x8FFFFFFF  }
0x99: {  	s19 =	sld [smem:$0x3FDB];
	_ =	sdelay $0x1  }
0x9a: {  	s5 =	simm.s32 $_scs_section_size  }
0x9b: {  	s6 =	simm.s32 $_size__tile_overlayer_lowered;
	s7 =	simm.s32 $_tile_overlayer_lowered  }
0x9c: {  	s22 =	simm.s32 $0x1BFF;
	s21 =	sshll.u32 s7, $0x1;
	s4 =	sadd.s32 s5, s19  }
0x9d: {  	s8 =	simm.s32 $0x0;
	s20 =	sshll.u32 s6, $0x1;
	s6 =	sadd.s32 s21, s4  }
0x9e: {  	[timem:s8], [sflag:s22] =	dma.local [hbm:s6], s20  }
0x9f: {  	_ =	swait.ge [sflag:s22], s20  }
0xa0: {  	s5 =	ssub.s32 $0x0, s20;
	[sflag:s22] =	ssyncset.done $0x0  }
0xa1: {  	[sflag:s22] =	ssyncadd.s32 s5;
	_ =	sdelay $0x1  }
0xa2: {  	s23 =	simm.s32 $0x1B8B  }
0xa3: {  	_ =	swait.ge [sflag:s23], $0x1  }
0xa4: {  	[sflag:s23] =	ssyncset.done $0x0  }
0xa5: {  	s25 =	simm.s32 $0x1B8E;
	s24 =	sld [smem:$0x3FFE];
	[sflag:s23] =	ssyncadd.s32 $0xFFFFFFFF  }
0xa6: {  	s26 =	simm.s32 $execute0_lowered;
	[smem:$0x3FD2] =	sst s25  }
0xa7: {  	s6 =	sshll.u32 s26, $0x1;
	_ =	strace $0x80000046;
	[dreg:$0x1] =	wrdreg $0xFFFFFFFF  }
0xa8: {  	s28 =	simm.s32 $_size_execute0_lowered;
	s4 =	sadd.s32 s4, s6;
	[dreg:$0x0] =	wrdreg $0x0  }
0xa9: {  	s6 =	sshll.u32 s28, $0x1;
	[dreg:$0x2] =	wrdreg s4  }
0xaa: {  	[dreg:$0x3] =	wrdreg s6  }
0xab: {  	[dreg:$0x4] =	wrdreg $0xC0  }
0xac: {  	_ =	task [dreg:s8], $0x5FFFF  }
0xad: {  	[dreg:$0x1] =	wrdreg $0xFFFFFFFF  }
0xae: {  	[dreg:$0x0] =	wrdreg $0x60  }
0xaf: {  	[dreg:$0x2] =	wrdreg s2  }
0xb0: {  	[dreg:$0x3] =	wrdreg s18  }
0xb1: {  	[dreg:$0x4] =	wrdreg s24  }
0xb2: {  	[dreg:$0x5] =	wrdreg $0x0  }
0xb3: {  	[dreg:$0x6] =	wrdreg $0x9  }
0xb4: {  	_ =	task.clear_ibuf [dreg:s8], $0x7FFFF;
	_ =	strace $0x90000046  }
0xb5: {  	s29 =	simm.s32 $0x9;
	_ =	strace $0x80000048  }
0xb6: {  	_ =	swait.ge [sflag:s29], $0x1  }
0xb7: {  	[sflag:s29] =	ssyncadd.s32 $0xFFFFFFFF  }
0xb8: {  	_ =	strace $0x90000048  }
0xb9: {  	_ =	sfence  }
0xba: {  	s30 =	sld [smem:$0x0];
	_ =	sdelay $0x2  }
0xbb: {  	s31 =	sshll.u32 s1, $0xD;
	s1 =	sshrl.u32 s1, $0x2  }
0xbc: {  	s3 =	sand.u32 $0x4000, s31;
	s1 =	sadd.s32 s1, s30  }
0xbd: {  	s0 =	sor.u32 s3, s0;
	s1 =	sshll.u32 s1, $0x11  }
0xbe: {  	s0 =	sor.u32 s1, s0  }
0xbf: {  	s0 =	sadd.s32 $0x8F2B, s0  }
0xc0: {  	[sflag:s0] =	ssyncadd.remote.s32 $0x1  }
0xc1: {  	_ =	sfence.sel $0xFFFF  }
0xc2: {  	[dreg:$0x0] =	wrdreg $0xFFFFFFFF;
	(pc) =	sbr.abs _section_cstart, $3  }
0xc3: {  	[dreg:$0x1] =	wrdreg $0xFFFFFFFF  }
0xc4: {  	_ =	task.clear_ibuf [dreg:s8], $0x2FFFF;
	_ =	strace $0x9FFFFFFF  }
0xc5: {  	(tm) =	ssettm $0x7FFFFFFF  }
tec
execute0_lowered:
.L_overlay_start_1:
0x0: {  	(tag) =	ssettag $0x1  }
0x1: {  	s1 =	rddreg [dreg:$0x0]  }
0x2: {  	s0 =	rddreg [dreg:$0x1]  }
0x3: {  	s2 =	srdreg.scid;
	s12 =	stileid.u32  }
0x4: {  	s5 =	rddreg [dreg:$0x2];
	s11 =	smul.u32 $0x4F000, s12  }
0x5: {  	s2 =	sand.u32 $0x1, s2;
	s4 =	sshll.u32 s12, $0x1;
	s19 =	smul.u32 $0x113000, s12  }
0x6: {  	s3 =	rddreg [dreg:$0x3];
	s21 =	smul.u32 $0x2780, s12;
	s6 =	sor.u32 s2, s4  }
0x7: {  	s12 =	simm.s32 $0x80;
	s4 =	simm.s32 $0x0;
	s7 =	smul.u32 $0x11300, s6  }
0x8: {  	s8 =	ssub.s32 $0x2, s2;
	[smem:$0x7FF] =	sst s4;
	s9 =	smul.u32 $0x89800, s6  }
0x9: {  	s10 =	sshrl.u32 s8, $0x1;
	s6 =	smul.u32 $0x226, s6;
	s25 =	sshrl.u32 s11, $0x2  }
0xa: {  	_ =	strace $0x80000047;
	s10 =	ssub.s32 s8, s10;
	s7 =	sadd.s32 s1, s7  }
0xb: {  	s8 =	sadd.s32 s25, s3;
	s0 =	sadd.s32 s0, s6;
	[dreg:$0x5] =	wrdreg s7  }
0xc: {  	s24 =	sshrl.u32 s9, $0x3;
	s9 =	sadd.s32 $0x1000, s8;
	[dreg:$0x7] =	wrdreg s0  }
0xd: {  	p0 =	seq.s32 s2, $0x1;
	s11 =	sadd.s32 $0x2000, s8;
	[dreg:$0x8] =	wrdreg s9  }
0xe: {  	s2 =	smul.u32 $0x89800, s2;
	s13 =	sadd.s32 $0x3000, s8;
	[dreg:$0x9] =	wrdreg s11  }
0xf: {  	s14 =	sadd.s32 $0x4000, s8;
	s15 =	sadd.s32 $0x5000, s8;
	[dreg:$0xa] =	wrdreg s13  }
0x10: {  	s16 =	sadd.s32 $0x6000, s8;
	s17 =	sadd.s32 $0x7000, s8;
	[dreg:$0xb] =	wrdreg s14  }
0x11: {  	s18 =	sadd.s32 $0x8000, s8;
	s6 =	simm.s32 $0x28C00;
	[dreg:$0xc] =	wrdreg s15  }
0x12: {  	s20 =	sadd.s32 $0x9000, s8;
	s22 =	sadd.s32 $0xA000, s8;
	[dreg:$0xd] =	wrdreg s16  }
0x13: {  	s23 =	sadd.s32 $0xB000, s8;
	s28 =	sadd.s32 $0xE000, s8;
	[dreg:$0xe] =	wrdreg s17  }
0x14: {  	s29 =	sadd.s32 $0xF000, s8;
	s30 =	sadd.s32 $0x10000, s8;
	[dreg:$0xf] =	wrdreg s18  }
0x15: {  	s31 =	sadd.s32 $0x11000, s8;
	s7 =	sadd.s32 s1, s24;
	[dreg:$0x10] =	wrdreg s20  }
0x16: {  	s6 =	simm.s32 @!p0 $0x1400;
	[dreg:$0x11] =	wrdreg s22;
	s0 =	sadd.s32 s2, s19  }
0x17: {  	[dreg:$0x12] =	wrdreg s23;
	s23 =	smax.u32 s10, $0x1;
	s9 =	simm.s32 $0x4  }
0x18: {  	s10 =	simm.s32 $0x3;
	s11 =	simm.s32 $0x1;
	s13 =	simm.s32 $0x1BC00  }
0x19: {  	s14 =	simm.s32 $0x2;
	s15 =	simm.s32 $0x1BC80;
	s16 =	simm.s32 $0x0  }
0x1a: {  	s26 =	sadd.s32 $0x800, s7;
	s5 =	sadd.s32 s6, s5;
	s25 =	sadd.s32 $0xC000, s0  }
0x1b: {  	s22 =	sadd.s32 $0x11000, s7;
	s6 =	simm.s32 $0x17C00;
	s7 =	simm.s32 $0x1CF00  }
0x1c: {  	[dreg:$0x6] =	wrdreg s26;
	s24 =	sadd.s32 s5, s21;
	s26 =	sadd.s32 $0xC000, s8  }
0x1d: {  	s2 =	sshrl.u32 s25, $0x3;
	s25 =	sadd.s32 $0x8000, s0;
	[dreg:$0x13] =	wrdreg s24  }
0x1e: {  	s0 =	sadd.s32 $0x13000, s8;
	s5 =	simm.s32 $0x13C00;
	[dreg:$0x14] =	wrdreg s26  }
0x1f: {  	v0 =	vimm.f32 $0.0e+00;
	s24 =	sadd.s32 s2, s1;
	s26 =	sadd.s32 $0xD000, s8;
	s2 =	sadd.s32 $0x12000, s8  }
.LBB2_1:
0x20: {  	s17 =	rddreg [dreg:$0x5]  }
0x21: {  	[tilespmem:s5], [sflag:$0x1] =	stream.linear.gather [hbm4b:s17+s4], $0x4000, $0x38;
	[tilespmem:$0x1DF00] =	vst v63  }
0x22: {  	s18 =	rddreg [dreg:$0x6]  }
0x23: {  	[tilespmem:s6], [sflag:$0x2] =	stream.linear.gather [hbm4b:s18+s4], $0x4000, $0x38;
	[tilespmem:$0x1DF00] =	vst v63  }
0x24: {  	s19 =	rddreg [dreg:$0x7];
	s20 =	sand.u32 $0x3E00, s4;
	s18 =	simm.s32 $0x1BD80  }
0x25: {  	[tilespmem:s18], [sflag:$0x3] =	stream.linear.gather [hbm4b:s19+s4], $0x1130, $0x38;
	[tilespmem:$0x1DF00] =	vst v63  }
0x26: {  	s21 =	sand.u32 $0x70, s4;
	s19 =	sshrl.u32 s20, $0x2  }
0x27: {  	s17 =	simm.s32 $0x40;
	s18 =	simm.s32 $0x0;
	s19 =	sor.u32 s21, s19  }
.LBB2_2:
0x28: {  	p0 =	sne.s32 s17, $0x3FC0  }
0x29: {  	[tilespmem:s19+$0x1CF00] =	vst v0;
	s18 =	sadd.s32 $0x10, s18;
	s19 =	smov.u32 s17;
	s17 =	sadd.s32 $0x40, s17  }
.Ltmp0:
0x2a: {  	(pc) =	sbr.rel @p0 .LBB2_2-.Ltmp0, $4  }
0x2b: {  	_ = 	snop  }
0x2c: {  	s19 =	sand.u32 $0x3E00, s19  }
0x2d: {  	s20 =	sand.u32 $0x70, s18;
	s19 =	sshrl.u32 s19, $0x2  }
0x2e: {  	s19 =	sor.u32 s20, s19  }
0x2f: {  	[tilespmem:s19+$0x1CF00] =	vst v0  }
0x30: {  	[spmem:s8] =	stream.linear.scatter [tilespmem:s7], [sflag:$0x4], $0x1000, $0x38;
	[tilespmem:$0x1DF00] =	vst v63  }
0x31: {  	_ =	swait.ge [sflag:s9], $0x1000  }
0x32: {  	[sflag:s9] =	ssyncset.done $0x0  }
0x33: {  	s17 =	rddreg [dreg:$0x8];
	[sflag:s9] =	ssyncadd.s32 $0xFFFFF000  }
0x34: {  	[spmem:s17] =	stream.linear.scatter [tilespmem:s7], [sflag:$0x4], $0x1000, $0x38;
	[tilespmem:$0x1DF00] =	vst v63  }
0x35: {  	_ =	swait.ge [sflag:s9], $0x1000  }
0x36: {  	[sflag:s9] =	ssyncset.done $0x0  }
0x37: {  	s18 =	rddreg [dreg:$0x9];
	[sflag:s9] =	ssyncadd.s32 $0xFFFFF000  }
0x38: {  	[spmem:s18] =	stream.linear.scatter [tilespmem:s7], [sflag:$0x4], $0x1000, $0x38;
	[tilespmem:$0x1DF00] =	vst v63  }
0x39: {  	_ =	swait.ge [sflag:s9], $0x1000  }
0x3a: {  	[sflag:s9] =	ssyncset.done $0x0  }
0x3b: {  	s19 =	rddreg [dreg:$0xa];
	[sflag:s9] =	ssyncadd.s32 $0xFFFFF000  }
0x3c: {  	[spmem:s19] =	stream.linear.scatter [tilespmem:s7], [sflag:$0x4], $0x1000, $0x38;
	[tilespmem:$0x1DF00] =	vst v63  }
0x3d: {  	_ =	swait.ge [sflag:s9], $0x1000  }
0x3e: {  	[sflag:s9] =	ssyncset.done $0x0  }
0x3f: {  	s20 =	rddreg [dreg:$0xb];
	[sflag:s9] =	ssyncadd.s32 $0xFFFFF000  }
0x40: {  	[spmem:s20] =	stream.linear.scatter [tilespmem:s7], [sflag:$0x4], $0x1000, $0x38;
	[tilespmem:$0x1DF00] =	vst v63  }
0x41: {  	_ =	swait.ge [sflag:s9], $0x1000  }
0x42: {  	[sflag:s9] =	ssyncset.done $0x0  }
0x43: {  	s21 =	rddreg [dreg:$0xc];
	[sflag:s9] =	ssyncadd.s32 $0xFFFFF000  }
0x44: {  	[spmem:s21] =	stream.linear.scatter [tilespmem:s7], [sflag:$0x4], $0x1000, $0x38;
	[tilespmem:$0x1DF00] =	vst v63  }
0x45: {  	_ =	swait.ge [sflag:s9], $0x1000  }
0x46: {  	[sflag:s9] =	ssyncset.done $0x0  }
0x47: {  	s18 =	rddreg [dreg:$0xd];
	[sflag:s9] =	ssyncadd.s32 $0xFFFFF000  }
0x48: {  	[spmem:s18] =	stream.linear.scatter [tilespmem:s7], [sflag:$0x4], $0x1000, $0x38;
	[tilespmem:$0x1DF00] =	vst v63  }
0x49: {  	_ =	swait.ge [sflag:s9], $0x1000  }
0x4a: {  	[sflag:s9] =	ssyncset.done $0x0  }
0x4b: {  	s19 =	rddreg [dreg:$0xe];
	[sflag:s9] =	ssyncadd.s32 $0xFFFFF000  }
0x4c: {  	[spmem:s19] =	stream.linear.scatter [tilespmem:s7], [sflag:$0x4], $0x1000, $0x38;
	[tilespmem:$0x1DF00] =	vst v63  }
0x4d: {  	_ =	swait.ge [sflag:s9], $0x1000  }
0x4e: {  	[sflag:s9] =	ssyncset.done $0x0  }
0x4f: {  	s20 =	rddreg [dreg:$0xf];
	[sflag:s9] =	ssyncadd.s32 $0xFFFFF000  }
0x50: {  	[spmem:s20] =	stream.linear.scatter [tilespmem:s7], [sflag:$0x4], $0x1000, $0x38;
	[tilespmem:$0x1DF00] =	vst v63  }
0x51: {  	_ =	swait.ge [sflag:s9], $0x1000  }
0x52: {  	[sflag:s9] =	ssyncset.done $0x0  }
0x53: {  	s21 =	rddreg [dreg:$0x10];
	[sflag:s9] =	ssyncadd.s32 $0xFFFFF000  }
0x54: {  	[spmem:s21] =	stream.linear.scatter [tilespmem:s7], [sflag:$0x4], $0x1000, $0x38;
	[tilespmem:$0x1DF00] =	vst v63  }
0x55: {  	_ =	swait.ge [sflag:s9], $0x1000  }
0x56: {  	[sflag:s9] =	ssyncset.done $0x0  }
0x57: {  	s18 =	rddreg [dreg:$0x11];
	[sflag:s9] =	ssyncadd.s32 $0xFFFFF000  }
0x58: {  	[spmem:s18] =	stream.linear.scatter [tilespmem:s7], [sflag:$0x4], $0x1000, $0x38;
	[tilespmem:$0x1DF00] =	vst v63  }
0x59: {  	_ =	swait.ge [sflag:s9], $0x1000  }
0x5a: {  	[sflag:s9] =	ssyncset.done $0x0  }
0x5b: {  	s19 =	rddreg [dreg:$0x12];
	[sflag:s9] =	ssyncadd.s32 $0xFFFFF000  }
0x5c: {  	[spmem:s19] =	stream.linear.scatter [tilespmem:s7], [sflag:$0x4], $0x1000, $0x38;
	[tilespmem:$0x1DF00] =	vst v63  }
0x5d: {  	_ =	swait.ge [sflag:s9], $0x1000  }
0x5e: {  	[sflag:s9] =	ssyncset.done $0x0  }
0x5f: {  	s20 =	rddreg [dreg:$0x14];
	[sflag:s9] =	ssyncadd.s32 $0xFFFFF000  }
0x60: {  	[spmem:s20] =	stream.linear.scatter [tilespmem:s7], [sflag:$0x4], $0x1000, $0x38;
	[tilespmem:$0x1DF00] =	vst v63  }
0x61: {  	_ =	swait.ge [sflag:s9], $0x1000  }
0x62: {  	[sflag:s9] =	ssyncset.done $0x0  }
0x63: {  	[sflag:s9] =	ssyncadd.s32 $0xFFFFF000  }
0x64: {  	[spmem:s26] =	stream.linear.scatter [tilespmem:s7], [sflag:$0x4], $0x1000, $0x38;
	[tilespmem:$0x1DF00] =	vst v63  }
0x65: {  	_ =	swait.ge [sflag:s9], $0x1000  }
0x66: {  	[sflag:s9] =	ssyncset.done $0x0  }
0x67: {  	[sflag:s9] =	ssyncadd.s32 $0xFFFFF000  }
0x68: {  	[spmem:s28] =	stream.linear.scatter [tilespmem:s7], [sflag:$0x4], $0x1000, $0x38;
	[tilespmem:$0x1DF00] =	vst v63  }
0x69: {  	_ =	swait.ge [sflag:s9], $0x1000  }
0x6a: {  	[sflag:s9] =	ssyncset.done $0x0  }
0x6b: {  	[sflag:s9] =	ssyncadd.s32 $0xFFFFF000  }
0x6c: {  	[spmem:s29] =	stream.linear.scatter [tilespmem:s7], [sflag:$0x4], $0x1000, $0x38;
	[tilespmem:$0x1DF00] =	vst v63  }
0x6d: {  	_ =	swait.ge [sflag:s9], $0x1000  }
0x6e: {  	[sflag:s9] =	ssyncset.done $0x0  }
0x6f: {  	[sflag:s9] =	ssyncadd.s32 $0xFFFFF000  }
0x70: {  	[spmem:s30] =	stream.linear.scatter [tilespmem:s7], [sflag:$0x4], $0x1000, $0x38;
	[tilespmem:$0x1DF00] =	vst v63  }
0x71: {  	_ =	swait.ge [sflag:s9], $0x1000  }
0x72: {  	[sflag:s9] =	ssyncset.done $0x0  }
0x73: {  	[sflag:s9] =	ssyncadd.s32 $0xFFFFF000  }
0x74: {  	[spmem:s31] =	stream.linear.scatter [tilespmem:s7], [sflag:$0x4], $0x1000, $0x38;
	[tilespmem:$0x1DF00] =	vst v63  }
0x75: {  	_ =	swait.ge [sflag:s9], $0x1000  }
0x76: {  	[sflag:s9] =	ssyncset.done $0x0  }
0x77: {  	[sflag:s9] =	ssyncadd.s32 $0xFFFFF000  }
0x78: {  	[spmem:s2] =	stream.linear.scatter [tilespmem:s7], [sflag:$0x4], $0x1000, $0x38;
	[tilespmem:$0x1DF00] =	vst v63  }
0x79: {  	_ =	swait.ge [sflag:s9], $0x1000  }
0x7a: {  	[sflag:s9] =	ssyncset.done $0x0  }
0x7b: {  	[sflag:s9] =	ssyncadd.s32 $0xFFFFF000  }
0x7c: {  	[spmem:s0] =	stream.linear.scatter [tilespmem:s7], [sflag:$0x4], $0xC00, $0x38;
	[tilespmem:$0x1DF00] =	vst v63  }
0x7d: {  	_ =	swait.ge [sflag:s9], $0xC00  }
0x7e: {  	[sflag:s9] =	ssyncset.done $0x0  }
0x7f: {  	[sflag:s9] =	ssyncadd.s32 $0xFFFFF400  }
0x80: {  	[bflag:$0x0] =	sbarrier.arrive $0xFFFF  }
0x81: {  	_ =	swait.ge [sflag:s10], $0x1130  }
0x82: {  	[sflag:s10] =	ssyncset.done $0x0  }
0x83: {  	s21 =	simm.s32 $0x1BE00;
	[sflag:s10] =	ssyncadd.s32 $0xFFFFEED0  }
0x84: {  	v1 =	vld [tilespmem:s21+$0xFFFFFF80];
	_ =	sdelay $0x4  }
0x85: {  	[tilespmem:$0x1BC00] =	vst v1  }
0x86: {  	v1 =	vld [tilespmem:s21+$0xFFFFFF90];
	_ =	sdelay $0x4  }
0x87: {  	[tilespmem:$0x1BC10] =	vst v1  }
0x88: {  	v1 =	vld [tilespmem:s21+$0xFFFFFFA0];
	_ =	sdelay $0x4  }
0x89: {  	[tilespmem:$0x1BC20] =	vst v1  }
0x8a: {  	v1 =	vld [tilespmem:s21+$0xFFFFFFB0];
	_ =	sdelay $0x4  }
0x8b: {  	[tilespmem:$0x1BC30] =	vst v1  }
0x8c: {  	v1 =	vld [tilespmem:s21+$0xFFFFFFC0];
	_ =	sdelay $0x4  }
0x8d: {  	[tilespmem:$0x1BC40] =	vst v1  }
0x8e: {  	v1 =	vld [tilespmem:s21+$0xFFFFFFD0];
	_ =	sdelay $0x4  }
0x8f: {  	[tilespmem:$0x1BC50] =	vst v1  }
0x90: {  	v1 =	vld [tilespmem:s21+$0xFFFFFFE0];
	_ =	sdelay $0x4  }
0x91: {  	[tilespmem:$0x1BC60] =	vst v1  }
0x92: {  	v1 =	vld [tilespmem:s21+$0xFFFFFFF0];
	_ =	sdelay $0x4  }
0x93: {  	[tilespmem:$0x1BC70] =	vst v1  }
0x94: {  	_ =	swait.ge [sflag:s11], $0x4000  }
0x95: {  	[sflag:s11] =	ssyncset.done $0x0  }
0x96: {  	[sflag:s11] =	ssyncadd.s32 $0xFFFFC000  }
0x97: {  	[spmem:s3] =	stream.indirect.scatter.add.f32 [tilespmem:s5], [sflag:$0x4], $0x80, s13, s12, $0xb8;
	[tilespmem:$0x1DF00] =	vst v63  }
0x98: {  	_ =	swait.ge [sflag:s9], $0x4000  }
0x99: {  	s18 =	sshrl.u32 s25, $0x3;
	[sflag:s9] =	ssyncset.done $0x0  }
0x9a: {  	s18 =	sadd.s32 s1, s18;
	[sflag:s9] =	ssyncadd.s32 $0xFFFFC000  }
0x9b: {  	[tilespmem:s5], [sflag:$0x1] =	stream.linear.gather [hbm4b:s18+s4], $0x4000, $0x38;
	[tilespmem:$0x1DF00] =	vst v63  }
0x9c: {  	v1 =	vld [tilespmem:s21+$0x0];
	_ =	sdelay $0x4  }
0x9d: {  	[tilespmem:$0x1BC80] =	vst v1  }
0x9e: {  	v1 =	vld [tilespmem:s21+$0x10];
	_ =	sdelay $0x4  }
0x9f: {  	[tilespmem:$0x1BC90] =	vst v1  }
0xa0: {  	v1 =	vld [tilespmem:s21+$0x20];
	_ =	sdelay $0x4  }
0xa1: {  	[tilespmem:$0x1BCA0] =	vst v1  }
0xa2: {  	v1 =	vld [tilespmem:s21+$0x30];
	_ =	sdelay $0x4  }
0xa3: {  	[tilespmem:$0x1BCB0] =	vst v1  }
0xa4: {  	v1 =	vld [tilespmem:s21+$0x40];
	_ =	sdelay $0x4  }
0xa5: {  	[tilespmem:$0x1BCC0] =	vst v1  }
0xa6: {  	v1 =	vld [tilespmem:s21+$0x50];
	_ =	sdelay $0x4  }
0xa7: {  	[tilespmem:$0x1BCD0] =	vst v1  }
0xa8: {  	v1 =	vld [tilespmem:s21+$0x60];
	_ =	sdelay $0x4  }
0xa9: {  	[tilespmem:$0x1BCE0] =	vst v1  }
0xaa: {  	v1 =	vld [tilespmem:s21+$0x70];
	_ =	sdelay $0x4  }
0xab: {  	[tilespmem:$0x1BCF0] =	vst v1  }
0xac: {  	_ =	swait.ge [sflag:s14], $0x4000  }
0xad: {  	[sflag:s14] =	ssyncset.done $0x0  }
0xae: {  	[sflag:s14] =	ssyncadd.s32 $0xFFFFC000  }
0xaf: {  	[spmem:s3] =	stream.indirect.scatter.add.f32 [tilespmem:s6], [sflag:$0x4], $0x80, s15, s12, $0xb8;
	[tilespmem:$0x1DF00] =	vst v63  }
0xb0: {  	_ =	swait.ge [sflag:s9], $0x4000  }
0xb1: {  	s17 =	simm.s32 $0x1000;
	s19 =	sadd.s32 $0x8000, s25;
	[sflag:s9] =	ssyncset.done $0x0  }
0xb2: {  	s20 =	sadd.s32 $0x0, s24;
	s18 =	simm.s32 $0x1BF00;
	[sflag:s9] =	ssyncadd.s32 $0xFFFFC000  }
.LBB2_4:
0xb3: {  	[tilespmem:s6], [sflag:$0x2] =	stream.linear.gather [hbm4b:s20+s4], $0x4000, $0x38;
	[tilespmem:$0x1DF00] =	vst v63  }
0xb4: {  	p0 =	sne.s32 s17, $0xF000;
	s20 =	smov.u32 s17;
	s17 =	sadd.s32 $0x1000, s17;
	v1 =	vld [tilespmem:s18+$0xFFFFFF80]  }
0xb5: {  	_ =	sdelay $0x3  }
0xb6: {  	[tilespmem:$0x1BC00] =	vst v1  }
0xb7: {  	v1 =	vld [tilespmem:s18+$0xFFFFFF90];
	_ =	sdelay $0x4  }
0xb8: {  	[tilespmem:$0x1BC10] =	vst v1  }
0xb9: {  	v1 =	vld [tilespmem:s18+$0xFFFFFFA0];
	_ =	sdelay $0x4  }
0xba: {  	[tilespmem:$0x1BC20] =	vst v1  }
0xbb: {  	v1 =	vld [tilespmem:s18+$0xFFFFFFB0];
	_ =	sdelay $0x4  }
0xbc: {  	[tilespmem:$0x1BC30] =	vst v1  }
0xbd: {  	v1 =	vld [tilespmem:s18+$0xFFFFFFC0];
	_ =	sdelay $0x4  }
0xbe: {  	[tilespmem:$0x1BC40] =	vst v1  }
0xbf: {  	v1 =	vld [tilespmem:s18+$0xFFFFFFD0];
	_ =	sdelay $0x4  }
0xc0: {  	[tilespmem:$0x1BC50] =	vst v1  }
0xc1: {  	v1 =	vld [tilespmem:s18+$0xFFFFFFE0];
	_ =	sdelay $0x4  }
0xc2: {  	[tilespmem:$0x1BC60] =	vst v1  }
0xc3: {  	v1 =	vld [tilespmem:s18+$0xFFFFFFF0];
	_ =	sdelay $0x4  }
0xc4: {  	[tilespmem:$0x1BC70] =	vst v1  }
0xc5: {  	_ =	swait.ge [sflag:s11], $0x4000  }
0xc6: {  	[sflag:s11] =	ssyncset.done $0x0  }
0xc7: {  	[sflag:s11] =	ssyncadd.s32 $0xFFFFC000  }
0xc8: {  	[spmem:s3] =	stream.indirect.scatter.add.f32 [tilespmem:s5], [sflag:$0x4], $0x80, s13, s12, $0xb8;
	[tilespmem:$0x1DF00] =	vst v63  }
0xc9: {  	_ =	swait.ge [sflag:s9], $0x4000  }
0xca: {  	s21 =	sshrl.u32 s19, $0x3;
	[sflag:s9] =	ssyncset.done $0x0  }
0xcb: {  	s21 =	sadd.s32 s1, s21;
	[sflag:s9] =	ssyncadd.s32 $0xFFFFC000  }
0xcc: {  	[tilespmem:s5], [sflag:$0x1] =	stream.linear.gather [hbm4b:s21+s4], $0x4000, $0x38;
	[tilespmem:$0x1DF00] =	vst v63  }
0xcd: {  	v1 =	vld [tilespmem:s18+$0x0];
	_ =	sdelay $0x4  }
0xce: {  	[tilespmem:$0x1BC80] =	vst v1  }
0xcf: {  	v1 =	vld [tilespmem:s18+$0x10];
	_ =	sdelay $0x4  }
0xd0: {  	[tilespmem:$0x1BC90] =	vst v1  }
0xd1: {  	v1 =	vld [tilespmem:s18+$0x20];
	_ =	sdelay $0x4  }
0xd2: {  	[tilespmem:$0x1BCA0] =	vst v1  }
0xd3: {  	v1 =	vld [tilespmem:s18+$0x30];
	_ =	sdelay $0x4  }
0xd4: {  	[tilespmem:$0x1BCB0] =	vst v1  }
0xd5: {  	v1 =	vld [tilespmem:s18+$0x40];
	_ =	sdelay $0x4  }
0xd6: {  	[tilespmem:$0x1BCC0] =	vst v1  }
0xd7: {  	v1 =	vld [tilespmem:s18+$0x50];
	_ =	sdelay $0x4  }
0xd8: {  	[tilespmem:$0x1BCD0] =	vst v1  }
0xd9: {  	v1 =	vld [tilespmem:s18+$0x60];
	_ =	sdelay $0x4  }
0xda: {  	[tilespmem:$0x1BCE0] =	vst v1  }
0xdb: {  	v1 =	vld [tilespmem:s18+$0x70];
	_ =	sdelay $0x4  }
0xdc: {  	[tilespmem:$0x1BCF0] =	vst v1  }
0xdd: {  	_ =	swait.ge [sflag:s14], $0x4000  }
0xde: {  	[sflag:s14] =	ssyncset.done $0x0  }
.Ltmp1:
0xdf: {  	[sflag:s14] =	ssyncadd.s32 $0xFFFFC000;
	(pc) =	sbr.rel @p0 .LBB2_4-.Ltmp1, $4  }
0xe0: {  	[spmem:s3] =	stream.indirect.scatter.add.f32 [tilespmem:s6], [sflag:$0x4], $0x80, s15, s12, $0xb8;
	[tilespmem:$0x1DF00] =	vst v63  }
0xe1: {  	_ =	swait.ge [sflag:s9], $0x4000  }
0xe2: {  	s18 =	sadd.s32 $0x100, s18;
	[sflag:s9] =	ssyncset.done $0x0  }
0xe3: {  	s19 =	sadd.s32 $0x8000, s19;
	s20 =	sadd.s32 s20, s24;
	[sflag:s9] =	ssyncadd.s32 $0xFFFFC000  }
0xe4: {  	[tilespmem:s6], [sflag:$0x2] =	stream.linear.gather [hbm4b:s20+s4], $0x4000, $0x38;
	[tilespmem:$0x1DF00] =	vst v63  }
0xe5: {  	v1 =	vld [tilespmem:$0x1CD80]  }
0xe6: {  	v2 =	vld [tilespmem:$0x1CD90]  }
0xe7: {  	v3 =	vld [tilespmem:$0x1CDA0]  }
0xe8: {  	v4 =	vld [tilespmem:$0x1CDB0]  }
0xe9: {  	v5 =	vld [tilespmem:$0x1CDC0]  }
0xea: {  	[tilespmem:$0x1BC00] =	vst v1;
	v1 =	vld [tilespmem:$0x1CDD0]  }
0xeb: {  	[tilespmem:$0x1BC10] =	vst v2;
	v2 =	vld [tilespmem:$0x1CDE0]  }
0xec: {  	[tilespmem:$0x1BC20] =	vst v3;
	v3 =	vld [tilespmem:$0x1CDF0]  }
0xed: {  	[tilespmem:$0x1BC30] =	vst v4  }
0xee: {  	[tilespmem:$0x1BC40] =	vst v5  }
0xef: {  	[tilespmem:$0x1BC50] =	vst v1  }
0xf0: {  	[tilespmem:$0x1BC60] =	vst v2  }
0xf1: {  	[tilespmem:$0x1BC70] =	vst v3  }
0xf2: {  	_ =	swait.ge [sflag:s11], $0x4000  }
0xf3: {  	[sflag:s11] =	ssyncset.done $0x0  }
0xf4: {  	[sflag:s11] =	ssyncadd.s32 $0xFFFFC000  }
0xf5: {  	[spmem:s3] =	stream.indirect.scatter.add.f32 [tilespmem:s5], [sflag:$0x4], $0x80, s13, s12, $0xb8;
	[tilespmem:$0x1DF00] =	vst v63  }
0xf6: {  	_ =	swait.ge [sflag:s9], $0x4000  }
0xf7: {  	[sflag:s9] =	ssyncset.done $0x0  }
0xf8: {  	[sflag:s9] =	ssyncadd.s32 $0xFFFFC000  }
0xf9: {  	v1 =	vld [tilespmem:$0x1CE00]  }
0xfa: {  	v2 =	vld [tilespmem:$0x1CE10]  }
0xfb: {  	v3 =	vld [tilespmem:$0x1CE20]  }
0xfc: {  	v62 =	vld [tilespmem:$0x1CE30]  }
0xfd: {  	v63 =	vld [tilespmem:$0x1CE40]  }
0xfe: {  	[tilespmem:$0x1BC80] =	vst v1;
	v1 =	vld [tilespmem:$0x1CE50]  }
0xff: {  	[tilespmem:$0x1BC90] =	vst v2;
	v2 =	vld [tilespmem:$0x1CE60]  }
0x100: {  	[tilespmem:$0x1BCA0] =	vst v3;
	v3 =	vld [tilespmem:$0x1CE70]  }
0x101: {  	[tilespmem:$0x1BCB0] =	vst v62  }
0x102: {  	[tilespmem:$0x1BCC0] =	vst v63  }
0x103: {  	[tilespmem:$0x1BCD0] =	vst v1  }
0x104: {  	[tilespmem:$0x1BCE0] =	vst v2  }
0x105: {  	[tilespmem:$0x1BCF0] =	vst v3  }
0x106: {  	_ =	swait.ge [sflag:s14], $0x4000  }
0x107: {  	[sflag:s14] =	ssyncset.done $0x0  }
0x108: {  	[sflag:s14] =	ssyncadd.s32 $0xFFFFC000  }
0x109: {  	[spmem:s3] =	stream.indirect.scatter.add.f32 [tilespmem:s6], [sflag:$0x4], $0x80, s15, s12, $0xb8;
	[tilespmem:$0x1DF00] =	vst v63  }
0x10a: {  	_ =	swait.ge [sflag:s9], $0x4000  }
0x10b: {  	[sflag:s9] =	ssyncset.done $0x0  }
0x10c: {  	[sflag:s9] =	ssyncadd.s32 $0xFFFFC000  }
0x10d: {  	[tilespmem:s5], [sflag:$0x4] =	stream.linear.gather [hbm4b:s22+s4], $0x1800, $0x38;
	[tilespmem:$0x1DF00] =	vst v63  }
0x10e: {  	_ =	swait.ge [sflag:s9], $0x1800  }
0x10f: {  	[sflag:s9] =	ssyncset.done $0x0  }
0x110: {  	[sflag:s9] =	ssyncadd.s32 $0xFFFFE800  }
0x111: {  	v1 =	vld [tilespmem:$0x1CE80]  }
0x112: {  	v2 =	vld [tilespmem:$0x1CE90]  }
0x113: {  	v3 =	vld [tilespmem:$0x1CEA0];
	_ =	sdelay $0x2  }
0x114: {  	[tilespmem:$0x1BD00] =	vst v1  }
0x115: {  	[tilespmem:$0x1BD10] =	vst v2  }
0x116: {  	s17 =	simm.s32 $0x30;
	s18 =	simm.s32 $0x1BD00;
	[tilespmem:$0x1BD20] =	vst v3  }
0x117: {  	[spmem:s3] =	stream.indirect.scatter.add.f32 [tilespmem:s5], [sflag:$0x4], $0x80, s18, s17, $0xb8;
	[tilespmem:$0x1DF00] =	vst v63  }
0x118: {  	_ =	swait.ge [sflag:s9], $0x1800  }
0x119: {  	s20 =	stileid.u32;
	[sflag:s9] =	ssyncset.done $0x0  }
0x11a: {  	s21 =	sshrl.u32 s8, $0x3;
	s16 =	sadd.s32 $0x1, s16;
	[sflag:s9] =	ssyncadd.s32 $0xFFFFE800  }
0x11b: {  	p0 =	sne.s32 s16, s23;
	s17 =	sshll.u32 s20, $0x6;
	[bflag:$0x0] =	sbarrier.arrive $0xFFFF  }
.Ltmp2:
0x11c: {  	s17 =	sor.u32 $0x1C04, s17;
	s19 =	rddreg [dreg:$0x13];
	(pc) =	sbr.rel @p0 .LBB2_1-.Ltmp2, $4  }
0x11d: {  	[hbm:s19], [sflag:s17] =	dma.local [spmem:s21], $0x2780  }
0x11e: {  	_ =	swait.ge [sflag:s9], $0x2780  }
0x11f: {  	[sflag:s9] =	ssyncset.done $0x0  }
0x120: {  	[sflag:s9] =	ssyncadd.s32 $0xFFFFD880  }
0x121: {  	_ =	sfence.sel $0x180000  }
0x122: {  	[bflag:$0x0] =	sbarrier.arrive $0xFFFF  }
0x123: {  	_ =	strace $0x90000047  }
0x124: {  	s0 =	stileid.u32;
	[bflag:$0x2] =	sbarrier.arrive $0xFFFF  }
0x125: {  	p0 =	sne.s32 s0, $0x0;
	s0 =	rddreg [dreg:$0x4]  }
0x126: {  	s0 =	sadd.s32 @!p0 $0x100000, s0  }
0x127: {  	[sflag:s0] =	ssyncadd.tile.s32 @!p0 $0x1;
	_ =	shalt  }
.Lfunc_end2:
_tile_overlayer_lowered:
.L_overlay_start_2:
0x128: {  	(tag) =	ssettag $0x2  }
0x129: {  	s0 =	rddreg [dreg:$0x0];
	s2 =	stileid.u32  }
0x12a: {  	s1 =	rddreg [dreg:$0x1];
	p0 =	sne.s32 s2, $0x0  }
0x12b: {  	s3 =	rddreg [dreg:$0x2];
	[bflag:$0x3] =	sbarrier.arrive $0xFFFF;
	s2 =	simm.s32 @!p0 $0x1C04  }
0x12c: {  	[timem:s3], [sflag:s2] =	dma.local @!p0 [hbm:s0], s1  }
0x12d: {  	s0 =	simm.s32 @!p0 $0x4  }
0x12e: {  	_ =	swait.ge @!p0 [sflag:s0], s1  }
0x12f: {  	s1 =	ssub.s32 @!p0 $0x0, s1;
	[sflag:s0] =	ssyncset.done @!p0 $0x0  }
0x130: {  	[sflag:s0] =	ssyncadd.s32 @!p0 s1  }
0x131: {  	[bflag:$0x3] =	sbarrier.arrive $0xFFFF  }
0x132: {  	_ =	shalt  }

</sc_bundles>
